<compile_context>
chip_gen: v7x
topology: tpu7x:2x2x1
jax: 0.10.2.dev20260603
libtpu: 0.0.44.dev20260713+nightly
codegen_flags: <defaults>
</compile_context>

<pallas_src>
import functools

import jax
import jax.numpy as jnp
from jax import lax
from jax.experimental import pallas as pl
from jax.experimental.pallas import tpu as pltpu
from jax.experimental.pallas import tpu_sc as plsc

N = 10000
E = 320000
D = 128
K = 10000

NC = 2
NS = 16
NP = 10240
CH = 80
EPT = E // (NC * NS)
NCH = EPT // CH
KPT = NP // (NC * NS)
RPT = NP // NS
ZR = 64
QBITS = 22


def _sc_stage(table_f32, table_q, keys_pad, src, dst, zeros_blk):
    mesh = plsc.VectorSubcoreMesh(
        core_axis_name="c", subcore_axis_name="s",
        num_cores=NC, num_subcores=NS)

    @functools.partial(
        pl.kernel,
        out_type=[
            jax.ShapeDtypeStruct((NP, D), jnp.float32),
            jax.ShapeDtypeStruct((NC, NP, D), jnp.int32),
        ],
        mesh=mesh,
        scratch_types=[
            pltpu.VMEM((CH,), jnp.int32),
            pltpu.VMEM((CH,), jnp.int32),
            pltpu.VMEM((CH, D), jnp.float32),
            pltpu.VMEM((CH, D), jnp.int32),
            pltpu.VMEM((ZR, D), jnp.int32),
            pltpu.VMEM_SHARED((NP, D), jnp.int32),
            pltpu.SemaphoreType.DMA,
        ],
    )
    def sc_kernel(tablef_hbm, tableq_hbm, keys_hbm, src_hbm, dst_hbm, z_hbm,
                  gs_hbm, parts_hbm,
                  idx_v, dst_v, rowsf_v, rowsq_v, zb_v, acc_sh, sem):
        cid = lax.axis_index("c")
        sid = lax.axis_index("s")
        wid = cid * NS + sid

        kbase = wid * KPT
        for b in range(KPT // CH):
            pltpu.sync_copy(keys_hbm.at[pl.ds(kbase + b * CH, CH)], idx_v)
            pltpu.async_copy(tablef_hbm.at[idx_v], rowsf_v, sem).wait()
            pltpu.sync_copy(rowsf_v, gs_hbm.at[pl.ds(kbase + b * CH, CH)])

        pltpu.sync_copy(z_hbm, zb_v)
        zbase = sid * RPT
        for b in range(RPT // ZR):
            pltpu.sync_copy(zb_v, acc_sh.at[pl.ds(zbase + b * ZR, ZR)])
        plsc.subcore_barrier()

        ebase = cid * (E // NC) + sid * EPT

        def body(i, carry):
            base = ebase + i * CH
            pltpu.sync_copy(src_hbm.at[pl.ds(base, CH)], idx_v)
            pltpu.async_copy(tableq_hbm.at[idx_v], rowsq_v, sem).wait()
            pltpu.sync_copy(dst_hbm.at[pl.ds(base, CH)], dst_v)
            pltpu.sync_copy(rowsq_v, acc_sh.at[dst_v], add=True)
            return carry

        lax.fori_loop(0, NCH, body, 0)
        plsc.subcore_barrier()

        for b in range(RPT // CH):
            pltpu.sync_copy(acc_sh.at[pl.ds(zbase + b * CH, CH)], rowsq_v)
            pltpu.sync_copy(
                rowsq_v, parts_hbm.at[cid].at[pl.ds(zbase + b * CH, CH)])

    return sc_kernel(table_f32, table_q, keys_pad, src, dst, zeros_blk)


BLK = 2000
GRID = N // BLK


def _tc_body(gs_ref, p0_ref, p1_ref, w_ref, m_ref, out_ref, acc_ref):
    i = pl.program_id(0)

    @pl.when(i == 0)
    def _():
        acc_ref[...] = jnp.zeros_like(acc_ref)

    dn = (((1,), (1,)), ((), ()))
    x = lax.dot_general(gs_ref[...], w_ref[...], dn,
                        preferred_element_type=jnp.float32,
                        precision=lax.Precision.HIGHEST)
    agg = (p0_ref[...] + p1_ref[...]).astype(jnp.float32) * (0.5 ** QBITS)
    x += lax.dot_general(agg, m_ref[...], dn,
                         preferred_element_type=jnp.float32,
                         precision=lax.Precision.HIGHEST)
    s = jnp.maximum(x, 0.0)
    acc_ref[...] += jnp.sum(s, axis=0, keepdims=True)

    @pl.when(i == GRID - 1)
    def _():
        a = acc_ref[...]
        e = jnp.exp(a - jnp.max(a))
        out_ref[...] = e / jnp.sum(e)


def _tc_stage(gs, p0, p1, W, M):
    return pl.pallas_call(
        _tc_body,
        grid=(GRID,),
        in_specs=[
            pl.BlockSpec((BLK, D), lambda i: (i, 0)),
            pl.BlockSpec((BLK, D), lambda i: (i, 0)),
            pl.BlockSpec((BLK, D), lambda i: (i, 0)),
            pl.BlockSpec((D, D), lambda i: (0, 0)),
            pl.BlockSpec((D, D), lambda i: (0, 0)),
        ],
        out_specs=pl.BlockSpec((1, D), lambda i: (0, 0)),
        out_shape=jax.ShapeDtypeStruct((1, D), jnp.float32),
        scratch_shapes=[pltpu.VMEM((1, D), jnp.float32)],
    )(gs, p0, p1, W, M)


def _round_bf16(x):
    v = lax.bitcast_convert_type(x, jnp.int32)
    r = (v + 0x7FFF + ((v >> 16) & 1)) & ~0xFFFF
    return lax.bitcast_convert_type(r, jnp.float32)


def kernel(index, node_keys, edge_index, W, M, Internal_Node_Impact):
    del index
    src = edge_index[0].astype(jnp.int32)
    dst = edge_index[1].astype(jnp.int32)
    keys_pad = jnp.concatenate(
        [node_keys.astype(jnp.int32), jnp.zeros((NP - N,), jnp.int32)])
    t16 = _round_bf16(Internal_Node_Impact)
    w16 = _round_bf16(W)
    m16 = _round_bf16(M)
    table_q = jnp.round(t16 * (2.0 ** QBITS)).astype(jnp.int32)
    zeros_blk = jnp.zeros((ZR, D), jnp.int32)
    gs, parts = _sc_stage(t16, table_q, keys_pad, src, dst, zeros_blk)
    out = _tc_stage(gs, parts[0], parts[1], w16, m16)
    return out.reshape(D, 1)

# --- scband reference (transcript-rebuilt; emitter-appended) ---
"""Pipeline reference for scband-internal-graph-convolution-layer-36112085025448 (READ-ONLY COPY).

The authoritative reference and input builder live on the scoring server;
editing this copy changes nothing except your own understanding.
"""

import jax, jax.numpy as jnp
import numpy as np

N = 10000   # nodes in the internal graph
E = 320000  # directed neighbor edges (avg_degree=32)
D = 128     # node_representation_size
K = 10000   # unique_internal_nodes (rows of Internal_Node_Impact)


def setup_inputs(seed: int = 0) -> dict:
    key = jax.random.key(seed)
    ks = jax.random.split(key, 6)
    # graph structure (integer, non-differentiable)
    node_keys = jax.random.randint(ks[0], (N,), 0, K)            # type-id of each node
    src = jax.random.randint(ks[1], (E,), 0, K)                  # neighbour type-ids (adj_vector.id)
    dst = jax.random.randint(ks[2], (E,), 0, N)                  # destination node position
    edge_index = jnp.stack([src, dst], axis=0)                   # [2, E]
    # learned parameters (xavier_normal init)
    std_wm = float(np.sqrt(2.0 / (D + D)))
    W = jax.random.normal(ks[3], (D, D), dtype=jnp.float32) * std_wm
    M = jax.random.normal(ks[4], (D, D), dtype=jnp.float32) * std_wm
    std_i = float(np.sqrt(2.0 / (K + D)))
    Internal_Node_Impact = jax.random.normal(ks[5], (K, D), dtype=jnp.float32) * std_i
    return {"index": 0, "node_keys": node_keys, "edge_index": edge_index,
            "W": W, "M": M, "Internal_Node_Impact": Internal_Node_Impact}


def reference(index, node_keys, edge_index, W, M, Internal_Node_Impact):
    # Vectorized translation of the per-node python loop:
    #   sum_i = relu( W @ impact[key_i] + sum_{j in nbrs(i)} M @ impact[id_j] )
    #   result = sum_i sum_i ;  softmax(result)
    self_feats = jnp.take(Internal_Node_Impact, node_keys, axis=0)        # [N, D] gather
    self_term = self_feats @ W.T                                          # (W @ v)^T per node
    nbr_feats = jnp.take(Internal_Node_Impact, edge_index[0], axis=0)     # [E, D] gather
    nbr_msgs = nbr_feats @ M.T                                            # [E, D]
    agg = jax.ops.segment_sum(nbr_msgs, edge_index[1], num_segments=N)    # [N, D] scatter-add
    s = jax.nn.relu(self_term + agg)                                      # [N, D]
    result = jnp.sum(s, axis=0).reshape(D, 1)                             # column vector [D, 1]
    # softmax over the representation dimension (the meaningful axis of the [D,1] column)
    return jax.nn.softmax(result, axis=0)

if __name__ == "__main__":
    import jax
    _d = setup_inputs()
    print(jax.jit(kernel)(*tuple(_d.values())))

</pallas_src>

<mosaic_0001>
#map = affine_map<(d0, d1) -> (0, 0)>
#map1 = affine_map<(d0, d1) -> (0)>
#map2 = affine_map<(d0, d1) -> (0, 0, 0)>
module attributes {stable_mosaic.version = 14 : i64} {
  func.func @sc_kernel(%arg0: i32, %arg1: i32, %arg2: memref<10000x128xf32, #tpu.memory_space<hbm>>, %arg3: memref<10000x128xi32, #tpu.memory_space<hbm>>, %arg4: memref<10240xi32, #tpu.memory_space<hbm>>, %arg5: memref<320000xi32, #tpu.memory_space<hbm>>, %arg6: memref<320000xi32, #tpu.memory_space<hbm>>, %arg7: memref<64x128xi32, #tpu.memory_space<hbm>>, %arg8: memref<10240x128xf32, #tpu.memory_space<hbm>>, %arg9: memref<2x10240x128xi32, #tpu.memory_space<hbm>>, %arg10: memref<80xi32, #tpu.memory_space<vmem>>, %arg11: memref<80xi32, #tpu.memory_space<vmem>>, %arg12: memref<80x128xf32, #tpu.memory_space<vmem>>, %arg13: memref<80x128xi32, #tpu.memory_space<vmem>>, %arg14: memref<64x128xi32, #tpu.memory_space<vmem>>, %arg15: memref<10240x128xi32, #tpu.memory_space<vmem_shared>>, %arg16: memref<!tpu.dma_semaphore, #tpu.memory_space<semaphore_mem>>) attributes {dimension_semantics = [#tpu.dimension_semantics<core_parallel>, #tpu.dimension_semantics<subcore_parallel>], iteration_bounds = array<i64: 2, 16>, scalar_prefetch = 0 : i64, scratch_operands = 7 : i64, tpu.core_type = #tpu.core_type<sc_vector_subcore>, window_params = [{transform_indices = #map}, {transform_indices = #map}, {transform_indices = #map1}, {transform_indices = #map1}, {transform_indices = #map1}, {transform_indices = #map}, {transform_indices = #map}, {transform_indices = #map2}]} {
    %mul3A = arith.constant 16 : i32
    %mul3A_0 = arith.muli %arg0, %mul3A : i32
    %add3A = arith.addi %mul3A_0, %arg1 : i32
    %mul3A_1 = arith.constant 320 : i32
    %mul3A_2 = arith.muli %add3A, %mul3A_1 : i32
    %add3A_3 = arith.constant 0 : i32
    %add3A_4 = arith.addi %mul3A_2, %add3A_3 : i32
    "tpu.region"() ({
      %run_scoped3A = tpu.sem_alloc : memref<!tpu.dma_semaphore, #tpu.memory_space<semaphore_mem>>
      %dma_start3A_106 = tpu.memref_slice %arg4[%add3A_4] : memref<10240xi32, #tpu.memory_space<hbm>> -> memref<80xi32, #tpu.memory_space<hbm>>
      %dma_start3A_107 = tpu.memref_slice %arg4[%add3A_4] : memref<10240xi32, #tpu.memory_space<hbm>> -> memref<80xi32, #tpu.memory_space<hbm>>
      tpu.enqueue_dma source(%dma_start3A_107 : memref<80xi32, #tpu.memory_space<hbm>>) target(%arg10 : memref<80xi32, #tpu.memory_space<vmem>>) target_semaphore(%run_scoped3A : memref<!tpu.dma_semaphore, #tpu.memory_space<semaphore_mem>>)
      %dma_wait3A_108 = tpu.memref_slice %arg4[%add3A_4] : memref<10240xi32, #tpu.memory_space<hbm>> -> memref<80xi32, #tpu.memory_space<hbm>>
      %dma_wait3A_109 = tpu.memref_slice %arg4[%add3A_4] : memref<10240xi32, #tpu.memory_space<hbm>> -> memref<80xi32, #tpu.memory_space<hbm>>
      tpu.wait_dma2 semaphore(%run_scoped3A : memref<!tpu.dma_semaphore, #tpu.memory_space<semaphore_mem>>) src(%dma_wait3A_109 : memref<80xi32, #tpu.memory_space<hbm>>) dst(%arg10 : memref<80xi32, #tpu.memory_space<vmem>>)
      tpu.yield
    }) : () -> ()
    %dma_start3A = arith.constant 0 : i32
    %dma_start3A_5 = arith.constant 0 : i32
    %dma_start3A_6 = tpu.memref_slice %arg2[%dma_start3A, %dma_start3A_5] : memref<10000x128xf32, #tpu.memory_space<hbm>> -> memref<10000x128xf32, #tpu.memory_space<hbm>>
    tpu.enqueue_indirect_dma source(%dma_start3A_6 : memref<10000x128xf32, #tpu.memory_space<hbm>>) target(%arg12 : memref<80x128xf32, #tpu.memory_space<vmem>>) offsets(%arg10 : memref<80xi32, #tpu.memory_space<vmem>>) semaphore(%arg16 : memref<!tpu.dma_semaphore, #tpu.memory_space<semaphore_mem>>)
    %dma_wait3A = arith.constant 0 : i32
    %dma_wait3A_7 = arith.constant 0 : i32
    %dma_wait3A_8 = tpu.memref_slice %arg2[%dma_wait3A, %dma_wait3A_7] : memref<10000x128xf32, #tpu.memory_space<hbm>> -> memref<10000x128xf32, #tpu.memory_space<hbm>>
    tpu.wait_indirect_dma semaphore(%arg16 : memref<!tpu.dma_semaphore, #tpu.memory_space<semaphore_mem>>) src(%dma_wait3A_8 : memref<10000x128xf32, #tpu.memory_space<hbm>>) dst(%arg12 : memref<80x128xf32, #tpu.memory_space<vmem>>)
    %add3A_9 = arith.constant 0 : i32
    %add3A_10 = arith.addi %mul3A_2, %add3A_9 : i32
    "tpu.region"() ({
      %run_scoped3A = tpu.sem_alloc : memref<!tpu.dma_semaphore, #tpu.memory_space<semaphore_mem>>
      %dma_start3A_106 = arith.constant 0 : i32
      %dma_start3A_107 = tpu.memref_slice %arg8[%add3A_10, %dma_start3A_106] : memref<10240x128xf32, #tpu.memory_space<hbm>> -> memref<80x128xf32, #tpu.memory_space<hbm>>
      %dma_start3A_108 = arith.constant 0 : i32
      %dma_start3A_109 = tpu.memref_slice %arg8[%add3A_10, %dma_start3A_108] : memref<10240x128xf32, #tpu.memory_space<hbm>> -> memref<80x128xf32, #tpu.memory_space<hbm>>
      tpu.enqueue_dma source(%arg12 : memref<80x128xf32, #tpu.memory_space<vmem>>) target(%dma_start3A_109 : memref<80x128xf32, #tpu.memory_space<hbm>>) target_semaphore(%run_scoped3A : memref<!tpu.dma_semaphore, #tpu.memory_space<semaphore_mem>>)
      %dma_wait3A_110 = arith.constant 0 : i32
      %dma_wait3A_111 = tpu.memref_slice %arg8[%add3A_10, %dma_wait3A_110] : memref<10240x128xf32, #tpu.memory_space<hbm>> -> memref<80x128xf32, #tpu.memory_space<hbm>>
      %dma_wait3A_112 = arith.constant 0 : i32
      %dma_wait3A_113 = tpu.memref_slice %arg8[%add3A_10, %dma_wait3A_112] : memref<10240x128xf32, #tpu.memory_space<hbm>> -> memref<80x128xf32, #tpu.memory_space<hbm>>
      tpu.wait_dma2 semaphore(%run_scoped3A : memref<!tpu.dma_semaphore, #tpu.memory_space<semaphore_mem>>) src(%arg12 : memref<80x128xf32, #tpu.memory_space<vmem>>) dst(%dma_wait3A_113 : memref<80x128xf32, #tpu.memory_space<hbm>>)
      tpu.yield
    }) : () -> ()
    %add3A_11 = arith.constant 80 : i32
    %add3A_12 = arith.addi %mul3A_2, %add3A_11 : i32
    "tpu.region"() ({
      %run_scoped3A = tpu.sem_alloc : memref<!tpu.dma_semaphore, #tpu.memory_space<semaphore_mem>>
      %dma_start3A_106 = tpu.memref_slice %arg4[%add3A_12] : memref<10240xi32, #tpu.memory_space<hbm>> -> memref<80xi32, #tpu.memory_space<hbm>>
      %dma_start3A_107 = tpu.memref_slice %arg4[%add3A_12] : memref<10240xi32, #tpu.memory_space<hbm>> -> memref<80xi32, #tpu.memory_space<hbm>>
      tpu.enqueue_dma source(%dma_start3A_107 : memref<80xi32, #tpu.memory_space<hbm>>) target(%arg10 : memref<80xi32, #tpu.memory_space<vmem>>) target_semaphore(%run_scoped3A : memref<!tpu.dma_semaphore, #tpu.memory_space<semaphore_mem>>)
      %dma_wait3A_108 = tpu.memref_slice %arg4[%add3A_12] : memref<10240xi32, #tpu.memory_space<hbm>> -> memref<80xi32, #tpu.memory_space<hbm>>
      %dma_wait3A_109 = tpu.memref_slice %arg4[%add3A_12] : memref<10240xi32, #tpu.memory_space<hbm>> -> memref<80xi32, #tpu.memory_space<hbm>>
      tpu.wait_dma2 semaphore(%run_scoped3A : memref<!tpu.dma_semaphore, #tpu.memory_space<semaphore_mem>>) src(%dma_wait3A_109 : memref<80xi32, #tpu.memory_space<hbm>>) dst(%arg10 : memref<80xi32, #tpu.memory_space<vmem>>)
      tpu.yield
    }) : () -> ()
    %dma_start3A_13 = arith.constant 0 : i32
    %dma_start3A_14 = arith.constant 0 : i32
    %dma_start3A_15 = tpu.memref_slice %arg2[%dma_start3A_13, %dma_start3A_14] : memref<10000x128xf32, #tpu.memory_space<hbm>> -> memref<10000x128xf32, #tpu.memory_space<hbm>>
    tpu.enqueue_indirect_dma source(%dma_start3A_15 : memref<10000x128xf32, #tpu.memory_space<hbm>>) target(%arg12 : memref<80x128xf32, #tpu.memory_space<vmem>>) offsets(%arg10 : memref<80xi32, #tpu.memory_space<vmem>>) semaphore(%arg16 : memref<!tpu.dma_semaphore, #tpu.memory_space<semaphore_mem>>)
    %dma_wait3A_16 = arith.constant 0 : i32
    %dma_wait3A_17 = arith.constant 0 : i32
    %dma_wait3A_18 = tpu.memref_slice %arg2[%dma_wait3A_16, %dma_wait3A_17] : memref<10000x128xf32, #tpu.memory_space<hbm>> -> memref<10000x128xf32, #tpu.memory_space<hbm>>
    tpu.wait_indirect_dma semaphore(%arg16 : memref<!tpu.dma_semaphore, #tpu.memory_space<semaphore_mem>>) src(%dma_wait3A_18 : memref<10000x128xf32, #tpu.memory_space<hbm>>) dst(%arg12 : memref<80x128xf32, #tpu.memory_space<vmem>>)
    %add3A_19 = arith.constant 80 : i32
    %add3A_20 = arith.addi %mul3A_2, %add3A_19 : i32
    "tpu.region"() ({
      %run_scoped3A = tpu.sem_alloc : memref<!tpu.dma_semaphore, #tpu.memory_space<semaphore_mem>>
      %dma_start3A_106 = arith.constant 0 : i32
      %dma_start3A_107 = tpu.memref_slice %arg8[%add3A_20, %dma_start3A_106] : memref<10240x128xf32, #tpu.memory_space<hbm>> -> memref<80x128xf32, #tpu.memory_space<hbm>>
      %dma_start3A_108 = arith.constant 0 : i32
      %dma_start3A_109 = tpu.memref_slice %arg8[%add3A_20, %dma_start3A_108] : memref<10240x128xf32, #tpu.memory_space<hbm>> -> memref<80x128xf32, #tpu.memory_space<hbm>>
      tpu.enqueue_dma source(%arg12 : memref<80x128xf32, #tpu.memory_space<vmem>>) target(%dma_start3A_109 : memref<80x128xf32, #tpu.memory_space<hbm>>) target_semaphore(%run_scoped3A : memref<!tpu.dma_semaphore, #tpu.memory_space<semaphore_mem>>)
      %dma_wait3A_110 = arith.constant 0 : i32
      %dma_wait3A_111 = tpu.memref_slice %arg8[%add3A_20, %dma_wait3A_110] : memref<10240x128xf32, #tpu.memory_space<hbm>> -> memref<80x128xf32, #tpu.memory_space<hbm>>
      %dma_wait3A_112 = arith.constant 0 : i32
      %dma_wait3A_113 = tpu.memref_slice %arg8[%add3A_20, %dma_wait3A_112] : memref<10240x128xf32, #tpu.memory_space<hbm>> -> memref<80x128xf32, #tpu.memory_space<hbm>>
      tpu.wait_dma2 semaphore(%run_scoped3A : memref<!tpu.dma_semaphore, #tpu.memory_space<semaphore_mem>>) src(%arg12 : memref<80x128xf32, #tpu.memory_space<vmem>>) dst(%dma_wait3A_113 : memref<80x128xf32, #tpu.memory_space<hbm>>)
      tpu.yield
    }) : () -> ()
    %add3A_21 = arith.constant 160 : i32
    %add3A_22 = arith.addi %mul3A_2, %add3A_21 : i32
    "tpu.region"() ({
      %run_scoped3A = tpu.sem_alloc : memref<!tpu.dma_semaphore, #tpu.memory_space<semaphore_mem>>
      %dma_start3A_106 = tpu.memref_slice %arg4[%add3A_22] : memref<10240xi32, #tpu.memory_space<hbm>> -> memref<80xi32, #tpu.memory_space<hbm>>
      %dma_start3A_107 = tpu.memref_slice %arg4[%add3A_22] : memref<10240xi32, #tpu.memory_space<hbm>> -> memref<80xi32, #tpu.memory_space<hbm>>
      tpu.enqueue_dma source(%dma_start3A_107 : memref<80xi32, #tpu.memory_space<hbm>>) target(%arg10 : memref<80xi32, #tpu.memory_space<vmem>>) target_semaphore(%run_scoped3A : memref<!tpu.dma_semaphore, #tpu.memory_space<semaphore_mem>>)
      %dma_wait3A_108 = tpu.memref_slice %arg4[%add3A_22] : memref<10240xi32, #tpu.memory_space<hbm>> -> memref<80xi32, #tpu.memory_space<hbm>>
      %dma_wait3A_109 = tpu.memref_slice %arg4[%add3A_22] : memref<10240xi32, #tpu.memory_space<hbm>> -> memref<80xi32, #tpu.memory_space<hbm>>
      tpu.wait_dma2 semaphore(%run_scoped3A : memref<!tpu.dma_semaphore, #tpu.memory_space<semaphore_mem>>) src(%dma_wait3A_109 : memref<80xi32, #tpu.memory_space<hbm>>) dst(%arg10 : memref<80xi32, #tpu.memory_space<vmem>>)
      tpu.yield
    }) : () -> ()
    %dma_start3A_23 = arith.constant 0 : i32
    %dma_start3A_24 = arith.constant 0 : i32
    %dma_start3A_25 = tpu.memref_slice %arg2[%dma_start3A_23, %dma_start3A_24] : memref<10000x128xf32, #tpu.memory_space<hbm>> -> memref<10000x128xf32, #tpu.memory_space<hbm>>
    tpu.enqueue_indirect_dma source(%dma_start3A_25 : memref<10000x128xf32, #tpu.memory_space<hbm>>) target(%arg12 : memref<80x128xf32, #tpu.memory_space<vmem>>) offsets(%arg10 : memref<80xi32, #tpu.memory_space<vmem>>) semaphore(%arg16 : memref<!tpu.dma_semaphore, #tpu.memory_space<semaphore_mem>>)
    %dma_wait3A_26 = arith.constant 0 : i32
    %dma_wait3A_27 = arith.constant 0 : i32
    %dma_wait3A_28 = tpu.memref_slice %arg2[%dma_wait3A_26, %dma_wait3A_27] : memref<10000x128xf32, #tpu.memory_space<hbm>> -> memref<10000x128xf32, #tpu.memory_space<hbm>>
    tpu.wait_indirect_dma semaphore(%arg16 : memref<!tpu.dma_semaphore, #tpu.memory_space<semaphore_mem>>) src(%dma_wait3A_28 : memref<10000x128xf32, #tpu.memory_space<hbm>>) dst(%arg12 : memref<80x128xf32, #tpu.memory_space<vmem>>)
    %add3A_29 = arith.constant 160 : i32
    %add3A_30 = arith.addi %mul3A_2, %add3A_29 : i32
    "tpu.region"() ({
      %run_scoped3A = tpu.sem_alloc : memref<!tpu.dma_semaphore, #tpu.memory_space<semaphore_mem>>
      %dma_start3A_106 = arith.constant 0 : i32
      %dma_start3A_107 = tpu.memref_slice %arg8[%add3A_30, %dma_start3A_106] : memref<10240x128xf32, #tpu.memory_space<hbm>> -> memref<80x128xf32, #tpu.memory_space<hbm>>
      %dma_start3A_108 = arith.constant 0 : i32
      %dma_start3A_109 = tpu.memref_slice %arg8[%add3A_30, %dma_start3A_108] : memref<10240x128xf32, #tpu.memory_space<hbm>> -> memref<80x128xf32, #tpu.memory_space<hbm>>
      tpu.enqueue_dma source(%arg12 : memref<80x128xf32, #tpu.memory_space<vmem>>) target(%dma_start3A_109 : memref<80x128xf32, #tpu.memory_space<hbm>>) target_semaphore(%run_scoped3A : memref<!tpu.dma_semaphore, #tpu.memory_space<semaphore_mem>>)
      %dma_wait3A_110 = arith.constant 0 : i32
      %dma_wait3A_111 = tpu.memref_slice %arg8[%add3A_30, %dma_wait3A_110] : memref<10240x128xf32, #tpu.memory_space<hbm>> -> memref<80x128xf32, #tpu.memory_space<hbm>>
      %dma_wait3A_112 = arith.constant 0 : i32
      %dma_wait3A_113 = tpu.memref_slice %arg8[%add3A_30, %dma_wait3A_112] : memref<10240x128xf32, #tpu.memory_space<hbm>> -> memref<80x128xf32, #tpu.memory_space<hbm>>
      tpu.wait_dma2 semaphore(%run_scoped3A : memref<!tpu.dma_semaphore, #tpu.memory_space<semaphore_mem>>) src(%arg12 : memref<80x128xf32, #tpu.memory_space<vmem>>) dst(%dma_wait3A_113 : memref<80x128xf32, #tpu.memory_space<hbm>>)
      tpu.yield
    }) : () -> ()
    %add3A_31 = arith.constant 240 : i32
    %add3A_32 = arith.addi %mul3A_2, %add3A_31 : i32
    "tpu.region"() ({
      %run_scoped3A = tpu.sem_alloc : memref<!tpu.dma_semaphore, #tpu.memory_space<semaphore_mem>>
      %dma_start3A_106 = tpu.memref_slice %arg4[%add3A_32] : memref<10240xi32, #tpu.memory_space<hbm>> -> memref<80xi32, #tpu.memory_space<hbm>>
      %dma_start3A_107 = tpu.memref_slice %arg4[%add3A_32] : memref<10240xi32, #tpu.memory_space<hbm>> -> memref<80xi32, #tpu.memory_space<hbm>>
      tpu.enqueue_dma source(%dma_start3A_107 : memref<80xi32, #tpu.memory_space<hbm>>) target(%arg10 : memref<80xi32, #tpu.memory_space<vmem>>) target_semaphore(%run_scoped3A : memref<!tpu.dma_semaphore, #tpu.memory_space<semaphore_mem>>)
      %dma_wait3A_108 = tpu.memref_slice %arg4[%add3A_32] : memref<10240xi32, #tpu.memory_space<hbm>> -> memref<80xi32, #tpu.memory_space<hbm>>
      %dma_wait3A_109 = tpu.memref_slice %arg4[%add3A_32] : memref<10240xi32, #tpu.memory_space<hbm>> -> memref<80xi32, #tpu.memory_space<hbm>>
      tpu.wait_dma2 semaphore(%run_scoped3A : memref<!tpu.dma_semaphore, #tpu.memory_space<semaphore_mem>>) src(%dma_wait3A_109 : memref<80xi32, #tpu.memory_space<hbm>>) dst(%arg10 : memref<80xi32, #tpu.memory_space<vmem>>)
      tpu.yield
    }) : () -> ()
    %dma_start3A_33 = arith.constant 0 : i32
    %dma_start3A_34 = arith.constant 0 : i32
    %dma_start3A_35 = tpu.memref_slice %arg2[%dma_start3A_33, %dma_start3A_34] : memref<10000x128xf32, #tpu.memory_space<hbm>> -> memref<10000x128xf32, #tpu.memory_space<hbm>>
    tpu.enqueue_indirect_dma source(%dma_start3A_35 : memref<10000x128xf32, #tpu.memory_space<hbm>>) target(%arg12 : memref<80x128xf32, #tpu.memory_space<vmem>>) offsets(%arg10 : memref<80xi32, #tpu.memory_space<vmem>>) semaphore(%arg16 : memref<!tpu.dma_semaphore, #tpu.memory_space<semaphore_mem>>)
    %dma_wait3A_36 = arith.constant 0 : i32
    %dma_wait3A_37 = arith.constant 0 : i32
    %dma_wait3A_38 = tpu.memref_slice %arg2[%dma_wait3A_36, %dma_wait3A_37] : memref<10000x128xf32, #tpu.memory_space<hbm>> -> memref<10000x128xf32, #tpu.memory_space<hbm>>
    tpu.wait_indirect_dma semaphore(%arg16 : memref<!tpu.dma_semaphore, #tpu.memory_space<semaphore_mem>>) src(%dma_wait3A_38 : memref<10000x128xf32, #tpu.memory_space<hbm>>) dst(%arg12 : memref<80x128xf32, #tpu.memory_space<vmem>>)
    %add3A_39 = arith.constant 240 : i32
    %add3A_40 = arith.addi %mul3A_2, %add3A_39 : i32
    "tpu.region"() ({
      %run_scoped3A = tpu.sem_alloc : memref<!tpu.dma_semaphore, #tpu.memory_space<semaphore_mem>>
      %dma_start3A_106 = arith.constant 0 : i32
      %dma_start3A_107 = tpu.memref_slice %arg8[%add3A_40, %dma_start3A_106] : memref<10240x128xf32, #tpu.memory_space<hbm>> -> memref<80x128xf32, #tpu.memory_space<hbm>>
      %dma_start3A_108 = arith.constant 0 : i32
      %dma_start3A_109 = tpu.memref_slice %arg8[%add3A_40, %dma_start3A_108] : memref<10240x128xf32, #tpu.memory_space<hbm>> -> memref<80x128xf32, #tpu.memory_space<hbm>>
      tpu.enqueue_dma source(%arg12 : memref<80x128xf32, #tpu.memory_space<vmem>>) target(%dma_start3A_109 : memref<80x128xf32, #tpu.memory_space<hbm>>) target_semaphore(%run_scoped3A : memref<!tpu.dma_semaphore, #tpu.memory_space<semaphore_mem>>)
      %dma_wait3A_110 = arith.constant 0 : i32
      %dma_wait3A_111 = tpu.memref_slice %arg8[%add3A_40, %dma_wait3A_110] : memref<10240x128xf32, #tpu.memory_space<hbm>> -> memref<80x128xf32, #tpu.memory_space<hbm>>
      %dma_wait3A_112 = arith.constant 0 : i32
      %dma_wait3A_113 = tpu.memref_slice %arg8[%add3A_40, %dma_wait3A_112] : memref<10240x128xf32, #tpu.memory_space<hbm>> -> memref<80x128xf32, #tpu.memory_space<hbm>>
      tpu.wait_dma2 semaphore(%run_scoped3A : memref<!tpu.dma_semaphore, #tpu.memory_space<semaphore_mem>>) src(%arg12 : memref<80x128xf32, #tpu.memory_space<vmem>>) dst(%dma_wait3A_113 : memref<80x128xf32, #tpu.memory_space<hbm>>)
      tpu.yield
    }) : () -> ()
    "tpu.region"() ({
      %run_scoped3A = tpu.sem_alloc : memref<!tpu.dma_semaphore, #tpu.memory_space<semaphore_mem>>
      tpu.enqueue_dma source(%arg7 : memref<64x128xi32, #tpu.memory_space<hbm>>) target(%arg14 : memref<64x128xi32, #tpu.memory_space<vmem>>) target_semaphore(%run_scoped3A : memref<!tpu.dma_semaphore, #tpu.memory_space<semaphore_mem>>)
      tpu.wait_dma2 semaphore(%run_scoped3A : memref<!tpu.dma_semaphore, #tpu.memory_space<semaphore_mem>>) src(%arg7 : memref<64x128xi32, #tpu.memory_space<hbm>>) dst(%arg14 : memref<64x128xi32, #tpu.memory_space<vmem>>)
      tpu.yield
    }) : () -> ()
    %mul3A_41 = arith.constant 640 : i32
    %mul3A_42 = arith.muli %arg1, %mul3A_41 : i32
    %add3A_43 = arith.constant 0 : i32
    %add3A_44 = arith.addi %mul3A_42, %add3A_43 : i32
    "tpu.region"() ({
      %run_scoped3A = tpu.sem_alloc : memref<!tpu.dma_semaphore, #tpu.memory_space<semaphore_mem>>
      %dma_start3A_106 = arith.constant 0 : i32
      %dma_start3A_107 = tpu.memref_slice %arg15[%add3A_44, %dma_start3A_106] : memref<10240x128xi32, #tpu.memory_space<vmem_shared>> -> memref<64x128xi32, #tpu.memory_space<vmem_shared>>
      %dma_start3A_108 = arith.constant 0 : i32
      %dma_start3A_109 = tpu.memref_slice %arg15[%add3A_44, %dma_start3A_108] : memref<10240x128xi32, #tpu.memory_space<vmem_shared>> -> memref<64x128xi32, #tpu.memory_space<vmem_shared>>
      tpu.enqueue_dma source(%arg14 : memref<64x128xi32, #tpu.memory_space<vmem>>) target(%dma_start3A_109 : memref<64x128xi32, #tpu.memory_space<vmem_shared>>) target_semaphore(%run_scoped3A : memref<!tpu.dma_semaphore, #tpu.memory_space<semaphore_mem>>)
      %dma_wait3A_110 = arith.constant 0 : i32
      %dma_wait3A_111 = tpu.memref_slice %arg15[%add3A_44, %dma_wait3A_110] : memref<10240x128xi32, #tpu.memory_space<vmem_shared>> -> memref<64x128xi32, #tpu.memory_space<vmem_shared>>
      %dma_wait3A_112 = arith.constant 0 : i32
      %dma_wait3A_113 = tpu.memref_slice %arg15[%add3A_44, %dma_wait3A_112] : memref<10240x128xi32, #tpu.memory_space<vmem_shared>> -> memref<64x128xi32, #tpu.memory_space<vmem_shared>>
      tpu.wait_dma2 semaphore(%run_scoped3A : memref<!tpu.dma_semaphore, #tpu.memory_space<semaphore_mem>>) src(%arg14 : memref<64x128xi32, #tpu.memory_space<vmem>>) dst(%dma_wait3A_113 : memref<64x128xi32, #tpu.memory_space<vmem_shared>>)
      tpu.yield
    }) : () -> ()
    %add3A_45 = arith.constant 64 : i32
    %add3A_46 = arith.addi %mul3A_42, %add3A_45 : i32
    "tpu.region"() ({
      %run_scoped3A = tpu.sem_alloc : memref<!tpu.dma_semaphore, #tpu.memory_space<semaphore_mem>>
      %dma_start3A_106 = arith.constant 0 : i32
      %dma_start3A_107 = tpu.memref_slice %arg15[%add3A_46, %dma_start3A_106] : memref<10240x128xi32, #tpu.memory_space<vmem_shared>> -> memref<64x128xi32, #tpu.memory_space<vmem_shared>>
      %dma_start3A_108 = arith.constant 0 : i32
      %dma_start3A_109 = tpu.memref_slice %arg15[%add3A_46, %dma_start3A_108] : memref<10240x128xi32, #tpu.memory_space<vmem_shared>> -> memref<64x128xi32, #tpu.memory_space<vmem_shared>>
      tpu.enqueue_dma source(%arg14 : memref<64x128xi32, #tpu.memory_space<vmem>>) target(%dma_start3A_109 : memref<64x128xi32, #tpu.memory_space<vmem_shared>>) target_semaphore(%run_scoped3A : memref<!tpu.dma_semaphore, #tpu.memory_space<semaphore_mem>>)
      %dma_wait3A_110 = arith.constant 0 : i32
      %dma_wait3A_111 = tpu.memref_slice %arg15[%add3A_46, %dma_wait3A_110] : memref<10240x128xi32, #tpu.memory_space<vmem_shared>> -> memref<64x128xi32, #tpu.memory_space<vmem_shared>>
      %dma_wait3A_112 = arith.constant 0 : i32
      %dma_wait3A_113 = tpu.memref_slice %arg15[%add3A_46, %dma_wait3A_112] : memref<10240x128xi32, #tpu.memory_space<vmem_shared>> -> memref<64x128xi32, #tpu.memory_space<vmem_shared>>
      tpu.wait_dma2 semaphore(%run_scoped3A : memref<!tpu.dma_semaphore, #tpu.memory_space<semaphore_mem>>) src(%arg14 : memref<64x128xi32, #tpu.memory_space<vmem>>) dst(%dma_wait3A_113 : memref<64x128xi32, #tpu.memory_space<vmem_shared>>)
      tpu.yield
    }) : () -> ()
    %add3A_47 = arith.constant 128 : i32
    %add3A_48 = arith.addi %mul3A_42, %add3A_47 : i32
    "tpu.region"() ({
      %run_scoped3A = tpu.sem_alloc : memref<!tpu.dma_semaphore, #tpu.memory_space<semaphore_mem>>
      %dma_start3A_106 = arith.constant 0 : i32
      %dma_start3A_107 = tpu.memref_slice %arg15[%add3A_48, %dma_start3A_106] : memref<10240x128xi32, #tpu.memory_space<vmem_shared>> -> memref<64x128xi32, #tpu.memory_space<vmem_shared>>
      %dma_start3A_108 = arith.constant 0 : i32
      %dma_start3A_109 = tpu.memref_slice %arg15[%add3A_48, %dma_start3A_108] : memref<10240x128xi32, #tpu.memory_space<vmem_shared>> -> memref<64x128xi32, #tpu.memory_space<vmem_shared>>
      tpu.enqueue_dma source(%arg14 : memref<64x128xi32, #tpu.memory_space<vmem>>) target(%dma_start3A_109 : memref<64x128xi32, #tpu.memory_space<vmem_shared>>) target_semaphore(%run_scoped3A : memref<!tpu.dma_semaphore, #tpu.memory_space<semaphore_mem>>)
      %dma_wait3A_110 = arith.constant 0 : i32
      %dma_wait3A_111 = tpu.memref_slice %arg15[%add3A_48, %dma_wait3A_110] : memref<10240x128xi32, #tpu.memory_space<vmem_shared>> -> memref<64x128xi32, #tpu.memory_space<vmem_shared>>
      %dma_wait3A_112 = arith.constant 0 : i32
      %dma_wait3A_113 = tpu.memref_slice %arg15[%add3A_48, %dma_wait3A_112] : memref<10240x128xi32, #tpu.memory_space<vmem_shared>> -> memref<64x128xi32, #tpu.memory_space<vmem_shared>>
      tpu.wait_dma2 semaphore(%run_scoped3A : memref<!tpu.dma_semaphore, #tpu.memory_space<semaphore_mem>>) src(%arg14 : memref<64x128xi32, #tpu.memory_space<vmem>>) dst(%dma_wait3A_113 : memref<64x128xi32, #tpu.memory_space<vmem_shared>>)
      tpu.yield
    }) : () -> ()
    %add3A_49 = arith.constant 192 : i32
    %add3A_50 = arith.addi %mul3A_42, %add3A_49 : i32
    "tpu.region"() ({
      %run_scoped3A = tpu.sem_alloc : memref<!tpu.dma_semaphore, #tpu.memory_space<semaphore_mem>>
      %dma_start3A_106 = arith.constant 0 : i32
      %dma_start3A_107 = tpu.memref_slice %arg15[%add3A_50, %dma_start3A_106] : memref<10240x128xi32, #tpu.memory_space<vmem_shared>> -> memref<64x128xi32, #tpu.memory_space<vmem_shared>>
      %dma_start3A_108 = arith.constant 0 : i32
      %dma_start3A_109 = tpu.memref_slice %arg15[%add3A_50, %dma_start3A_108] : memref<10240x128xi32, #tpu.memory_space<vmem_shared>> -> memref<64x128xi32, #tpu.memory_space<vmem_shared>>
      tpu.enqueue_dma source(%arg14 : memref<64x128xi32, #tpu.memory_space<vmem>>) target(%dma_start3A_109 : memref<64x128xi32, #tpu.memory_space<vmem_shared>>) target_semaphore(%run_scoped3A : memref<!tpu.dma_semaphore, #tpu.memory_space<semaphore_mem>>)
      %dma_wait3A_110 = arith.constant 0 : i32
      %dma_wait3A_111 = tpu.memref_slice %arg15[%add3A_50, %dma_wait3A_110] : memref<10240x128xi32, #tpu.memory_space<vmem_shared>> -> memref<64x128xi32, #tpu.memory_space<vmem_shared>>
      %dma_wait3A_112 = arith.constant 0 : i32
      %dma_wait3A_113 = tpu.memref_slice %arg15[%add3A_50, %dma_wait3A_112] : memref<10240x128xi32, #tpu.memory_space<vmem_shared>> -> memref<64x128xi32, #tpu.memory_space<vmem_shared>>
      tpu.wait_dma2 semaphore(%run_scoped3A : memref<!tpu.dma_semaphore, #tpu.memory_space<semaphore_mem>>) src(%arg14 : memref<64x128xi32, #tpu.memory_space<vmem>>) dst(%dma_wait3A_113 : memref<64x128xi32, #tpu.memory_space<vmem_shared>>)
      tpu.yield
    }) : () -> ()
    %add3A_51 = arith.constant 256 : i32
    %add3A_52 = arith.addi %mul3A_42, %add3A_51 : i32
    "tpu.region"() ({
      %run_scoped3A = tpu.sem_alloc : memref<!tpu.dma_semaphore, #tpu.memory_space<semaphore_mem>>
      %dma_start3A_106 = arith.constant 0 : i32
      %dma_start3A_107 = tpu.memref_slice %arg15[%add3A_52, %dma_start3A_106] : memref<10240x128xi32, #tpu.memory_space<vmem_shared>> -> memref<64x128xi32, #tpu.memory_space<vmem_shared>>
      %dma_start3A_108 = arith.constant 0 : i32
      %dma_start3A_109 = tpu.memref_slice %arg15[%add3A_52, %dma_start3A_108] : memref<10240x128xi32, #tpu.memory_space<vmem_shared>> -> memref<64x128xi32, #tpu.memory_space<vmem_shared>>
      tpu.enqueue_dma source(%arg14 : memref<64x128xi32, #tpu.memory_space<vmem>>) target(%dma_start3A_109 : memref<64x128xi32, #tpu.memory_space<vmem_shared>>) target_semaphore(%run_scoped3A : memref<!tpu.dma_semaphore, #tpu.memory_space<semaphore_mem>>)
      %dma_wait3A_110 = arith.constant 0 : i32
      %dma_wait3A_111 = tpu.memref_slice %arg15[%add3A_52, %dma_wait3A_110] : memref<10240x128xi32, #tpu.memory_space<vmem_shared>> -> memref<64x128xi32, #tpu.memory_space<vmem_shared>>
      %dma_wait3A_112 = arith.constant 0 : i32
      %dma_wait3A_113 = tpu.memref_slice %arg15[%add3A_52, %dma_wait3A_112] : memref<10240x128xi32, #tpu.memory_space<vmem_shared>> -> memref<64x128xi32, #tpu.memory_space<vmem_shared>>
      tpu.wait_dma2 semaphore(%run_scoped3A : memref<!tpu.dma_semaphore, #tpu.memory_space<semaphore_mem>>) src(%arg14 : memref<64x128xi32, #tpu.memory_space<vmem>>) dst(%dma_wait3A_113 : memref<64x128xi32, #tpu.memory_space<vmem_shared>>)
      tpu.yield
    }) : () -> ()
    %add3A_53 = arith.constant 320 : i32
    %add3A_54 = arith.addi %mul3A_42, %add3A_53 : i32
    "tpu.region"() ({
      %run_scoped3A = tpu.sem_alloc : memref<!tpu.dma_semaphore, #tpu.memory_space<semaphore_mem>>
      %dma_start3A_106 = arith.constant 0 : i32
      %dma_start3A_107 = tpu.memref_slice %arg15[%add3A_54, %dma_start3A_106] : memref<10240x128xi32, #tpu.memory_space<vmem_shared>> -> memref<64x128xi32, #tpu.memory_space<vmem_shared>>
      %dma_start3A_108 = arith.constant 0 : i32
      %dma_start3A_109 = tpu.memref_slice %arg15[%add3A_54, %dma_start3A_108] : memref<10240x128xi32, #tpu.memory_space<vmem_shared>> -> memref<64x128xi32, #tpu.memory_space<vmem_shared>>
      tpu.enqueue_dma source(%arg14 : memref<64x128xi32, #tpu.memory_space<vmem>>) target(%dma_start3A_109 : memref<64x128xi32, #tpu.memory_space<vmem_shared>>) target_semaphore(%run_scoped3A : memref<!tpu.dma_semaphore, #tpu.memory_space<semaphore_mem>>)
      %dma_wait3A_110 = arith.constant 0 : i32
      %dma_wait3A_111 = tpu.memref_slice %arg15[%add3A_54, %dma_wait3A_110] : memref<10240x128xi32, #tpu.memory_space<vmem_shared>> -> memref<64x128xi32, #tpu.memory_space<vmem_shared>>
      %dma_wait3A_112 = arith.constant 0 : i32
      %dma_wait3A_113 = tpu.memref_slice %arg15[%add3A_54, %dma_wait3A_112] : memref<10240x128xi32, #tpu.memory_space<vmem_shared>> -> memref<64x128xi32, #tpu.memory_space<vmem_shared>>
      tpu.wait_dma2 semaphore(%run_scoped3A : memref<!tpu.dma_semaphore, #tpu.memory_space<semaphore_mem>>) src(%arg14 : memref<64x128xi32, #tpu.memory_space<vmem>>) dst(%dma_wait3A_113 : memref<64x128xi32, #tpu.memory_space<vmem_shared>>)
      tpu.yield
    }) : () -> ()
    %add3A_55 = arith.constant 384 : i32
    %add3A_56 = arith.addi %mul3A_42, %add3A_55 : i32
    "tpu.region"() ({
      %run_scoped3A = tpu.sem_alloc : memref<!tpu.dma_semaphore, #tpu.memory_space<semaphore_mem>>
      %dma_start3A_106 = arith.constant 0 : i32
      %dma_start3A_107 = tpu.memref_slice %arg15[%add3A_56, %dma_start3A_106] : memref<10240x128xi32, #tpu.memory_space<vmem_shared>> -> memref<64x128xi32, #tpu.memory_space<vmem_shared>>
      %dma_start3A_108 = arith.constant 0 : i32
      %dma_start3A_109 = tpu.memref_slice %arg15[%add3A_56, %dma_start3A_108] : memref<10240x128xi32, #tpu.memory_space<vmem_shared>> -> memref<64x128xi32, #tpu.memory_space<vmem_shared>>
      tpu.enqueue_dma source(%arg14 : memref<64x128xi32, #tpu.memory_space<vmem>>) target(%dma_start3A_109 : memref<64x128xi32, #tpu.memory_space<vmem_shared>>) target_semaphore(%run_scoped3A : memref<!tpu.dma_semaphore, #tpu.memory_space<semaphore_mem>>)
      %dma_wait3A_110 = arith.constant 0 : i32
      %dma_wait3A_111 = tpu.memref_slice %arg15[%add3A_56, %dma_wait3A_110] : memref<10240x128xi32, #tpu.memory_space<vmem_shared>> -> memref<64x128xi32, #tpu.memory_space<vmem_shared>>
      %dma_wait3A_112 = arith.constant 0 : i32
      %dma_wait3A_113 = tpu.memref_slice %arg15[%add3A_56, %dma_wait3A_112] : memref<10240x128xi32, #tpu.memory_space<vmem_shared>> -> memref<64x128xi32, #tpu.memory_space<vmem_shared>>
      tpu.wait_dma2 semaphore(%run_scoped3A : memref<!tpu.dma_semaphore, #tpu.memory_space<semaphore_mem>>) src(%arg14 : memref<64x128xi32, #tpu.memory_space<vmem>>) dst(%dma_wait3A_113 : memref<64x128xi32, #tpu.memory_space<vmem_shared>>)
      tpu.yield
    }) : () -> ()
    %add3A_57 = arith.constant 448 : i32
    %add3A_58 = arith.addi %mul3A_42, %add3A_57 : i32
    "tpu.region"() ({
      %run_scoped3A = tpu.sem_alloc : memref<!tpu.dma_semaphore, #tpu.memory_space<semaphore_mem>>
      %dma_start3A_106 = arith.constant 0 : i32
      %dma_start3A_107 = tpu.memref_slice %arg15[%add3A_58, %dma_start3A_106] : memref<10240x128xi32, #tpu.memory_space<vmem_shared>> -> memref<64x128xi32, #tpu.memory_space<vmem_shared>>
      %dma_start3A_108 = arith.constant 0 : i32
      %dma_start3A_109 = tpu.memref_slice %arg15[%add3A_58, %dma_start3A_108] : memref<10240x128xi32, #tpu.memory_space<vmem_shared>> -> memref<64x128xi32, #tpu.memory_space<vmem_shared>>
      tpu.enqueue_dma source(%arg14 : memref<64x128xi32, #tpu.memory_space<vmem>>) target(%dma_start3A_109 : memref<64x128xi32, #tpu.memory_space<vmem_shared>>) target_semaphore(%run_scoped3A : memref<!tpu.dma_semaphore, #tpu.memory_space<semaphore_mem>>)
      %dma_wait3A_110 = arith.constant 0 : i32
      %dma_wait3A_111 = tpu.memref_slice %arg15[%add3A_58, %dma_wait3A_110] : memref<10240x128xi32, #tpu.memory_space<vmem_shared>> -> memref<64x128xi32, #tpu.memory_space<vmem_shared>>
      %dma_wait3A_112 = arith.constant 0 : i32
      %dma_wait3A_113 = tpu.memref_slice %arg15[%add3A_58, %dma_wait3A_112] : memref<10240x128xi32, #tpu.memory_space<vmem_shared>> -> memref<64x128xi32, #tpu.memory_space<vmem_shared>>
      tpu.wait_dma2 semaphore(%run_scoped3A : memref<!tpu.dma_semaphore, #tpu.memory_space<semaphore_mem>>) src(%arg14 : memref<64x128xi32, #tpu.memory_space<vmem>>) dst(%dma_wait3A_113 : memref<64x128xi32, #tpu.memory_space<vmem_shared>>)
      tpu.yield
    }) : () -> ()
    %add3A_59 = arith.constant 512 : i32
    %add3A_60 = arith.addi %mul3A_42, %add3A_59 : i32
    "tpu.region"() ({
      %run_scoped3A = tpu.sem_alloc : memref<!tpu.dma_semaphore, #tpu.memory_space<semaphore_mem>>
      %dma_start3A_106 = arith.constant 0 : i32
      %dma_start3A_107 = tpu.memref_slice %arg15[%add3A_60, %dma_start3A_106] : memref<10240x128xi32, #tpu.memory_space<vmem_shared>> -> memref<64x128xi32, #tpu.memory_space<vmem_shared>>
      %dma_start3A_108 = arith.constant 0 : i32
      %dma_start3A_109 = tpu.memref_slice %arg15[%add3A_60, %dma_start3A_108] : memref<10240x128xi32, #tpu.memory_space<vmem_shared>> -> memref<64x128xi32, #tpu.memory_space<vmem_shared>>
      tpu.enqueue_dma source(%arg14 : memref<64x128xi32, #tpu.memory_space<vmem>>) target(%dma_start3A_109 : memref<64x128xi32, #tpu.memory_space<vmem_shared>>) target_semaphore(%run_scoped3A : memref<!tpu.dma_semaphore, #tpu.memory_space<semaphore_mem>>)
      %dma_wait3A_110 = arith.constant 0 : i32
      %dma_wait3A_111 = tpu.memref_slice %arg15[%add3A_60, %dma_wait3A_110] : memref<10240x128xi32, #tpu.memory_space<vmem_shared>> -> memref<64x128xi32, #tpu.memory_space<vmem_shared>>
      %dma_wait3A_112 = arith.constant 0 : i32
      %dma_wait3A_113 = tpu.memref_slice %arg15[%add3A_60, %dma_wait3A_112] : memref<10240x128xi32, #tpu.memory_space<vmem_shared>> -> memref<64x128xi32, #tpu.memory_space<vmem_shared>>
      tpu.wait_dma2 semaphore(%run_scoped3A : memref<!tpu.dma_semaphore, #tpu.memory_space<semaphore_mem>>) src(%arg14 : memref<64x128xi32, #tpu.memory_space<vmem>>) dst(%dma_wait3A_113 : memref<64x128xi32, #tpu.memory_space<vmem_shared>>)
      tpu.yield
    }) : () -> ()
    %add3A_61 = arith.constant 576 : i32
    %add3A_62 = arith.addi %mul3A_42, %add3A_61 : i32
    "tpu.region"() ({
      %run_scoped3A = tpu.sem_alloc : memref<!tpu.dma_semaphore, #tpu.memory_space<semaphore_mem>>
      %dma_start3A_106 = arith.constant 0 : i32
      %dma_start3A_107 = tpu.memref_slice %arg15[%add3A_62, %dma_start3A_106] : memref<10240x128xi32, #tpu.memory_space<vmem_shared>> -> memref<64x128xi32, #tpu.memory_space<vmem_shared>>
      %dma_start3A_108 = arith.constant 0 : i32
      %dma_start3A_109 = tpu.memref_slice %arg15[%add3A_62, %dma_start3A_108] : memref<10240x128xi32, #tpu.memory_space<vmem_shared>> -> memref<64x128xi32, #tpu.memory_space<vmem_shared>>
      tpu.enqueue_dma source(%arg14 : memref<64x128xi32, #tpu.memory_space<vmem>>) target(%dma_start3A_109 : memref<64x128xi32, #tpu.memory_space<vmem_shared>>) target_semaphore(%run_scoped3A : memref<!tpu.dma_semaphore, #tpu.memory_space<semaphore_mem>>)
      %dma_wait3A_110 = arith.constant 0 : i32
      %dma_wait3A_111 = tpu.memref_slice %arg15[%add3A_62, %dma_wait3A_110] : memref<10240x128xi32, #tpu.memory_space<vmem_shared>> -> memref<64x128xi32, #tpu.memory_space<vmem_shared>>
      %dma_wait3A_112 = arith.constant 0 : i32
      %dma_wait3A_113 = tpu.memref_slice %arg15[%add3A_62, %dma_wait3A_112] : memref<10240x128xi32, #tpu.memory_space<vmem_shared>> -> memref<64x128xi32, #tpu.memory_space<vmem_shared>>
      tpu.wait_dma2 semaphore(%run_scoped3A : memref<!tpu.dma_semaphore, #tpu.memory_space<semaphore_mem>>) src(%arg14 : memref<64x128xi32, #tpu.memory_space<vmem>>) dst(%dma_wait3A_113 : memref<64x128xi32, #tpu.memory_space<vmem_shared>>)
      tpu.yield
    }) : () -> ()
    %barrier3A = arith.constant 0 : index
    tpu.barrier barrier_id(%barrier3A)
    %mul3A_63 = arith.constant 160000 : i32
    %mul3A_64 = arith.muli %arg0, %mul3A_63 : i32
    %mul3A_65 = arith.constant 10000 : i32
    %mul3A_66 = arith.muli %arg1, %mul3A_65 : i32
    %add3A_67 = arith.addi %mul3A_64, %mul3A_66 : i32
    %scan3A = arith.constant 0 : i32
    %scan3A_68 = arith.constant 0 : i32
    %scan3A_69 = arith.constant 125 : i32
    %scan3A_70 = arith.addi %scan3A_68, %scan3A_69 : i32
    %scan3A_71 = arith.constant 1 : i32
    scf.for %scan3A_106 = %scan3A_68 to %scan3A_70 step %scan3A_71  : i32 {
      %mul3A_107 = arith.constant 80 : i32
      %mul3A_108 = arith.muli %scan3A_106, %mul3A_107 : i32
      %add3A_109 = arith.addi %add3A_67, %mul3A_108 : i32
      "tpu.region"() ({
        %run_scoped3A = tpu.sem_alloc : memref<!tpu.dma_semaphore, #tpu.memory_space<semaphore_mem>>
        %dma_start3A_116 = tpu.memref_slice %arg5[%add3A_109] : memref<320000xi32, #tpu.memory_space<hbm>> -> memref<80xi32, #tpu.memory_space<hbm>>
        %dma_start3A_117 = tpu.memref_slice %arg5[%add3A_109] : memref<320000xi32, #tpu.memory_space<hbm>> -> memref<80xi32, #tpu.memory_space<hbm>>
        tpu.enqueue_dma source(%dma_start3A_117 : memref<80xi32, #tpu.memory_space<hbm>>) target(%arg10 : memref<80xi32, #tpu.memory_space<vmem>>) target_semaphore(%run_scoped3A : memref<!tpu.dma_semaphore, #tpu.memory_space<semaphore_mem>>)
        %dma_wait3A_118 = tpu.memref_slice %arg5[%add3A_109] : memref<320000xi32, #tpu.memory_space<hbm>> -> memref<80xi32, #tpu.memory_space<hbm>>
        %dma_wait3A_119 = tpu.memref_slice %arg5[%add3A_109] : memref<320000xi32, #tpu.memory_space<hbm>> -> memref<80xi32, #tpu.memory_space<hbm>>
        tpu.wait_dma2 semaphore(%run_scoped3A : memref<!tpu.dma_semaphore, #tpu.memory_space<semaphore_mem>>) src(%dma_wait3A_119 : memref<80xi32, #tpu.memory_space<hbm>>) dst(%arg10 : memref<80xi32, #tpu.memory_space<vmem>>)
        tpu.yield
      }) : () -> ()
      %dma_start3A_110 = arith.constant 0 : i32
      %dma_start3A_111 = arith.constant 0 : i32
      %dma_start3A_112 = tpu.memref_slice %arg3[%dma_start3A_110, %dma_start3A_111] : memref<10000x128xi32, #tpu.memory_space<hbm>> -> memref<10000x128xi32, #tpu.memory_space<hbm>>
      tpu.enqueue_indirect_dma source(%dma_start3A_112 : memref<10000x128xi32, #tpu.memory_space<hbm>>) target(%arg13 : memref<80x128xi32, #tpu.memory_space<vmem>>) offsets(%arg10 : memref<80xi32, #tpu.memory_space<vmem>>) semaphore(%arg16 : memref<!tpu.dma_semaphore, #tpu.memory_space<semaphore_mem>>)
      %dma_wait3A_113 = arith.constant 0 : i32
      %dma_wait3A_114 = arith.constant 0 : i32
      %dma_wait3A_115 = tpu.memref_slice %arg3[%dma_wait3A_113, %dma_wait3A_114] : memref<10000x128xi32, #tpu.memory_space<hbm>> -> memref<10000x128xi32, #tpu.memory_space<hbm>>
      tpu.wait_indirect_dma semaphore(%arg16 : memref<!tpu.dma_semaphore, #tpu.memory_space<semaphore_mem>>) src(%dma_wait3A_115 : memref<10000x128xi32, #tpu.memory_space<hbm>>) dst(%arg13 : memref<80x128xi32, #tpu.memory_space<vmem>>)
      "tpu.region"() ({
        %run_scoped3A = tpu.sem_alloc : memref<!tpu.dma_semaphore, #tpu.memory_space<semaphore_mem>>
        %dma_start3A_116 = tpu.memref_slice %arg6[%add3A_109] : memref<320000xi32, #tpu.memory_space<hbm>> -> memref<80xi32, #tpu.memory_space<hbm>>
        %dma_start3A_117 = tpu.memref_slice %arg6[%add3A_109] : memref<320000xi32, #tpu.memory_space<hbm>> -> memref<80xi32, #tpu.memory_space<hbm>>
        tpu.enqueue_dma source(%dma_start3A_117 : memref<80xi32, #tpu.memory_space<hbm>>) target(%arg11 : memref<80xi32, #tpu.memory_space<vmem>>) target_semaphore(%run_scoped3A : memref<!tpu.dma_semaphore, #tpu.memory_space<semaphore_mem>>)
        %dma_wait3A_118 = tpu.memref_slice %arg6[%add3A_109] : memref<320000xi32, #tpu.memory_space<hbm>> -> memref<80xi32, #tpu.memory_space<hbm>>
        %dma_wait3A_119 = tpu.memref_slice %arg6[%add3A_109] : memref<320000xi32, #tpu.memory_space<hbm>> -> memref<80xi32, #tpu.memory_space<hbm>>
        tpu.wait_dma2 semaphore(%run_scoped3A : memref<!tpu.dma_semaphore, #tpu.memory_space<semaphore_mem>>) src(%dma_wait3A_119 : memref<80xi32, #tpu.memory_space<hbm>>) dst(%arg11 : memref<80xi32, #tpu.memory_space<vmem>>)
        tpu.yield
      }) : () -> ()
      "tpu.region"() ({
        %run_scoped3A = tpu.sem_alloc : memref<!tpu.dma_semaphore, #tpu.memory_space<semaphore_mem>>
        %dma_start3A_116 = arith.constant 0 : i32
        %dma_start3A_117 = arith.constant 0 : i32
        %dma_start3A_118 = tpu.memref_slice %arg15[%dma_start3A_116, %dma_start3A_117] : memref<10240x128xi32, #tpu.memory_space<vmem_shared>> -> memref<10240x128xi32, #tpu.memory_space<vmem_shared>>
        tpu.enqueue_indirect_dma source(%arg13 : memref<80x128xi32, #tpu.memory_space<vmem>>) target(%dma_start3A_118 : memref<10240x128xi32, #tpu.memory_space<vmem_shared>>) offsets(%arg11 : memref<80xi32, #tpu.memory_space<vmem>>) semaphore(%run_scoped3A : memref<!tpu.dma_semaphore, #tpu.memory_space<semaphore_mem>>) {add = true}
        %dma_wait3A_119 = arith.constant 0 : i32
        %dma_wait3A_120 = arith.constant 0 : i32
        %dma_wait3A_121 = tpu.memref_slice %arg15[%dma_wait3A_119, %dma_wait3A_120] : memref<10240x128xi32, #tpu.memory_space<vmem_shared>> -> memref<10240x128xi32, #tpu.memory_space<vmem_shared>>
        tpu.wait_indirect_dma semaphore(%run_scoped3A : memref<!tpu.dma_semaphore, #tpu.memory_space<semaphore_mem>>) src(%arg13 : memref<80x128xi32, #tpu.memory_space<vmem>>) dst(%dma_wait3A_121 : memref<10240x128xi32, #tpu.memory_space<vmem_shared>>)
        tpu.yield
      }) : () -> ()
    }
    %scan3A_72 = arith.constant 125 : i32
    %barrier3A_73 = arith.constant 0 : index
    tpu.barrier barrier_id(%barrier3A_73)
    %add3A_74 = arith.constant 0 : i32
    %add3A_75 = arith.addi %mul3A_42, %add3A_74 : i32
    "tpu.region"() ({
      %run_scoped3A = tpu.sem_alloc : memref<!tpu.dma_semaphore, #tpu.memory_space<semaphore_mem>>
      %dma_start3A_106 = arith.constant 0 : i32
      %dma_start3A_107 = tpu.memref_slice %arg15[%add3A_75, %dma_start3A_106] : memref<10240x128xi32, #tpu.memory_space<vmem_shared>> -> memref<80x128xi32, #tpu.memory_space<vmem_shared>>
      %dma_start3A_108 = arith.constant 0 : i32
      %dma_start3A_109 = tpu.memref_slice %arg15[%add3A_75, %dma_start3A_108] : memref<10240x128xi32, #tpu.memory_space<vmem_shared>> -> memref<80x128xi32, #tpu.memory_space<vmem_shared>>
      tpu.enqueue_dma source(%dma_start3A_109 : memref<80x128xi32, #tpu.memory_space<vmem_shared>>) target(%arg13 : memref<80x128xi32, #tpu.memory_space<vmem>>) target_semaphore(%run_scoped3A : memref<!tpu.dma_semaphore, #tpu.memory_space<semaphore_mem>>)
      %dma_wait3A_110 = arith.constant 0 : i32
      %dma_wait3A_111 = tpu.memref_slice %arg15[%add3A_75, %dma_wait3A_110] : memref<10240x128xi32, #tpu.memory_space<vmem_shared>> -> memref<80x128xi32, #tpu.memory_space<vmem_shared>>
      %dma_wait3A_112 = arith.constant 0 : i32
      %dma_wait3A_113 = tpu.memref_slice %arg15[%add3A_75, %dma_wait3A_112] : memref<10240x128xi32, #tpu.memory_space<vmem_shared>> -> memref<80x128xi32, #tpu.memory_space<vmem_shared>>
      tpu.wait_dma2 semaphore(%run_scoped3A : memref<!tpu.dma_semaphore, #tpu.memory_space<semaphore_mem>>) src(%dma_wait3A_113 : memref<80x128xi32, #tpu.memory_space<vmem_shared>>) dst(%arg13 : memref<80x128xi32, #tpu.memory_space<vmem>>)
      tpu.yield
    }) : () -> ()
    %add3A_76 = arith.constant 0 : i32
    %add3A_77 = arith.addi %mul3A_42, %add3A_76 : i32
    "tpu.region"() ({
      %run_scoped3A = tpu.sem_alloc : memref<!tpu.dma_semaphore, #tpu.memory_space<semaphore_mem>>
      %dma_start3A_106 = arith.constant 0 : i32
      %dma_start3A_107 = arith.constant 0 : i32
      %dma_start3A_108 = tpu.memref_slice %arg9[%arg0, %dma_start3A_106, %dma_start3A_107] : memref<2x10240x128xi32, #tpu.memory_space<hbm>> -> memref<1x10240x128xi32, #tpu.memory_space<hbm>>
      %dma_start3A_109 = tpu.memref_squeeze %dma_start3A_108 : memref<1x10240x128xi32, #tpu.memory_space<hbm>> -> memref<10240x128xi32, #tpu.memory_space<hbm>>
      %dma_start3A_110 = arith.constant 0 : i32
      %dma_start3A_111 = tpu.memref_slice %dma_start3A_109[%add3A_77, %dma_start3A_110] : memref<10240x128xi32, #tpu.memory_space<hbm>> -> memref<80x128xi32, #tpu.memory_space<hbm>>
      %dma_start3A_112 = arith.constant 0 : i32
      %dma_start3A_113 = arith.constant 0 : i32
      %dma_start3A_114 = tpu.memref_slice %arg9[%arg0, %dma_start3A_112, %dma_start3A_113] : memref<2x10240x128xi32, #tpu.memory_space<hbm>> -> memref<1x10240x128xi32, #tpu.memory_space<hbm>>
      %dma_start3A_115 = tpu.memref_squeeze %dma_start3A_114 : memref<1x10240x128xi32, #tpu.memory_space<hbm>> -> memref<10240x128xi32, #tpu.memory_space<hbm>>
      %dma_start3A_116 = arith.constant 0 : i32
      %dma_start3A_117 = tpu.memref_slice %dma_start3A_115[%add3A_77, %dma_start3A_116] : memref<10240x128xi32, #tpu.memory_space<hbm>> -> memref<80x128xi32, #tpu.memory_space<hbm>>
      tpu.enqueue_dma source(%arg13 : memref<80x128xi32, #tpu.memory_space<vmem>>) target(%dma_start3A_117 : memref<80x128xi32, #tpu.memory_space<hbm>>) target_semaphore(%run_scoped3A : memref<!tpu.dma_semaphore, #tpu.memory_space<semaphore_mem>>)
      %dma_wait3A_118 = arith.constant 0 : i32
      %dma_wait3A_119 = arith.constant 0 : i32
      %dma_wait3A_120 = tpu.memref_slice %arg9[%arg0, %dma_wait3A_118, %dma_wait3A_119] : memref<2x10240x128xi32, #tpu.memory_space<hbm>> -> memref<1x10240x128xi32, #tpu.memory_space<hbm>>
      %dma_wait3A_121 = tpu.memref_squeeze %dma_wait3A_120 : memref<1x10240x128xi32, #tpu.memory_space<hbm>> -> memref<10240x128xi32, #tpu.memory_space<hbm>>
      %dma_wait3A_122 = arith.constant 0 : i32
      %dma_wait3A_123 = tpu.memref_slice %dma_wait3A_121[%add3A_77, %dma_wait3A_122] : memref<10240x128xi32, #tpu.memory_space<hbm>> -> memref<80x128xi32, #tpu.memory_space<hbm>>
      %dma_wait3A_124 = arith.constant 0 : i32
      %dma_wait3A_125 = arith.constant 0 : i32
      %dma_wait3A_126 = tpu.memref_slice %arg9[%arg0, %dma_wait3A_124, %dma_wait3A_125] : memref<2x10240x128xi32, #tpu.memory_space<hbm>> -> memref<1x10240x128xi32, #tpu.memory_space<hbm>>
      %dma_wait3A_127 = tpu.memref_squeeze %dma_wait3A_126 : memref<1x10240x128xi32, #tpu.memory_space<hbm>> -> memref<10240x128xi32, #tpu.memory_space<hbm>>
      %dma_wait3A_128 = arith.constant 0 : i32
      %dma_wait3A_129 = tpu.memref_slice %dma_wait3A_127[%add3A_77, %dma_wait3A_128] : memref<10240x128xi32, #tpu.memory_space<hbm>> -> memref<80x128xi32, #tpu.memory_space<hbm>>
      tpu.wait_dma2 semaphore(%run_scoped3A : memref<!tpu.dma_semaphore, #tpu.memory_space<semaphore_mem>>) src(%arg13 : memref<80x128xi32, #tpu.memory_space<vmem>>) dst(%dma_wait3A_129 : memref<80x128xi32, #tpu.memory_space<hbm>>)
      tpu.yield
    }) : () -> ()
    %add3A_78 = arith.constant 80 : i32
    %add3A_79 = arith.addi %mul3A_42, %add3A_78 : i32
    "tpu.region"() ({
      %run_scoped3A = tpu.sem_alloc : memref<!tpu.dma_semaphore, #tpu.memory_space<semaphore_mem>>
      %dma_start3A_106 = arith.constant 0 : i32
      %dma_start3A_107 = tpu.memref_slice %arg15[%add3A_79, %dma_start3A_106] : memref<10240x128xi32, #tpu.memory_space<vmem_shared>> -> memref<80x128xi32, #tpu.memory_space<vmem_shared>>
      %dma_start3A_108 = arith.constant 0 : i32
      %dma_start3A_109 = tpu.memref_slice %arg15[%add3A_79, %dma_start3A_108] : memref<10240x128xi32, #tpu.memory_space<vmem_shared>> -> memref<80x128xi32, #tpu.memory_space<vmem_shared>>
      tpu.enqueue_dma source(%dma_start3A_109 : memref<80x128xi32, #tpu.memory_space<vmem_shared>>) target(%arg13 : memref<80x128xi32, #tpu.memory_space<vmem>>) target_semaphore(%run_scoped3A : memref<!tpu.dma_semaphore, #tpu.memory_space<semaphore_mem>>)
      %dma_wait3A_110 = arith.constant 0 : i32
      %dma_wait3A_111 = tpu.memref_slice %arg15[%add3A_79, %dma_wait3A_110] : memref<10240x128xi32, #tpu.memory_space<vmem_shared>> -> memref<80x128xi32, #tpu.memory_space<vmem_shared>>
      %dma_wait3A_112 = arith.constant 0 : i32
      %dma_wait3A_113 = tpu.memref_slice %arg15[%add3A_79, %dma_wait3A_112] : memref<10240x128xi32, #tpu.memory_space<vmem_shared>> -> memref<80x128xi32, #tpu.memory_space<vmem_shared>>
      tpu.wait_dma2 semaphore(%run_scoped3A : memref<!tpu.dma_semaphore, #tpu.memory_space<semaphore_mem>>) src(%dma_wait3A_113 : memref<80x128xi32, #tpu.memory_space<vmem_shared>>) dst(%arg13 : memref<80x128xi32, #tpu.memory_space<vmem>>)
      tpu.yield
    }) : () -> ()
    %add3A_80 = arith.constant 80 : i32
    %add3A_81 = arith.addi %mul3A_42, %add3A_80 : i32
    "tpu.region"() ({
      %run_scoped3A = tpu.sem_alloc : memref<!tpu.dma_semaphore, #tpu.memory_space<semaphore_mem>>
      %dma_start3A_106 = arith.constant 0 : i32
      %dma_start3A_107 = arith.constant 0 : i32
      %dma_start3A_108 = tpu.memref_slice %arg9[%arg0, %dma_start3A_106, %dma_start3A_107] : memref<2x10240x128xi32, #tpu.memory_space<hbm>> -> memref<1x10240x128xi32, #tpu.memory_space<hbm>>
      %dma_start3A_109 = tpu.memref_squeeze %dma_start3A_108 : memref<1x10240x128xi32, #tpu.memory_space<hbm>> -> memref<10240x128xi32, #tpu.memory_space<hbm>>
      %dma_start3A_110 = arith.constant 0 : i32
      %dma_start3A_111 = tpu.memref_slice %dma_start3A_109[%add3A_81, %dma_start3A_110] : memref<10240x128xi32, #tpu.memory_space<hbm>> -> memref<80x128xi32, #tpu.memory_space<hbm>>
      %dma_start3A_112 = arith.constant 0 : i32
      %dma_start3A_113 = arith.constant 0 : i32
      %dma_start3A_114 = tpu.memref_slice %arg9[%arg0, %dma_start3A_112, %dma_start3A_113] : memref<2x10240x128xi32, #tpu.memory_space<hbm>> -> memref<1x10240x128xi32, #tpu.memory_space<hbm>>
      %dma_start3A_115 = tpu.memref_squeeze %dma_start3A_114 : memref<1x10240x128xi32, #tpu.memory_space<hbm>> -> memref<10240x128xi32, #tpu.memory_space<hbm>>
      %dma_start3A_116 = arith.constant 0 : i32
      %dma_start3A_117 = tpu.memref_slice %dma_start3A_115[%add3A_81, %dma_start3A_116] : memref<10240x128xi32, #tpu.memory_space<hbm>> -> memref<80x128xi32, #tpu.memory_space<hbm>>
      tpu.enqueue_dma source(%arg13 : memref<80x128xi32, #tpu.memory_space<vmem>>) target(%dma_start3A_117 : memref<80x128xi32, #tpu.memory_space<hbm>>) target_semaphore(%run_scoped3A : memref<!tpu.dma_semaphore, #tpu.memory_space<semaphore_mem>>)
      %dma_wait3A_118 = arith.constant 0 : i32
      %dma_wait3A_119 = arith.constant 0 : i32
      %dma_wait3A_120 = tpu.memref_slice %arg9[%arg0, %dma_wait3A_118, %dma_wait3A_119] : memref<2x10240x128xi32, #tpu.memory_space<hbm>> -> memref<1x10240x128xi32, #tpu.memory_space<hbm>>
      %dma_wait3A_121 = tpu.memref_squeeze %dma_wait3A_120 : memref<1x10240x128xi32, #tpu.memory_space<hbm>> -> memref<10240x128xi32, #tpu.memory_space<hbm>>
      %dma_wait3A_122 = arith.constant 0 : i32
      %dma_wait3A_123 = tpu.memref_slice %dma_wait3A_121[%add3A_81, %dma_wait3A_122] : memref<10240x128xi32, #tpu.memory_space<hbm>> -> memref<80x128xi32, #tpu.memory_space<hbm>>
      %dma_wait3A_124 = arith.constant 0 : i32
      %dma_wait3A_125 = arith.constant 0 : i32
      %dma_wait3A_126 = tpu.memref_slice %arg9[%arg0, %dma_wait3A_124, %dma_wait3A_125] : memref<2x10240x128xi32, #tpu.memory_space<hbm>> -> memref<1x10240x128xi32, #tpu.memory_space<hbm>>
      %dma_wait3A_127 = tpu.memref_squeeze %dma_wait3A_126 : memref<1x10240x128xi32, #tpu.memory_space<hbm>> -> memref<10240x128xi32, #tpu.memory_space<hbm>>
      %dma_wait3A_128 = arith.constant 0 : i32
      %dma_wait3A_129 = tpu.memref_slice %dma_wait3A_127[%add3A_81, %dma_wait3A_128] : memref<10240x128xi32, #tpu.memory_space<hbm>> -> memref<80x128xi32, #tpu.memory_space<hbm>>
      tpu.wait_dma2 semaphore(%run_scoped3A : memref<!tpu.dma_semaphore, #tpu.memory_space<semaphore_mem>>) src(%arg13 : memref<80x128xi32, #tpu.memory_space<vmem>>) dst(%dma_wait3A_129 : memref<80x128xi32, #tpu.memory_space<hbm>>)
      tpu.yield
    }) : () -> ()
    %add3A_82 = arith.constant 160 : i32
    %add3A_83 = arith.addi %mul3A_42, %add3A_82 : i32
    "tpu.region"() ({
      %run_scoped3A = tpu.sem_alloc : memref<!tpu.dma_semaphore, #tpu.memory_space<semaphore_mem>>
      %dma_start3A_106 = arith.constant 0 : i32
      %dma_start3A_107 = tpu.memref_slice %arg15[%add3A_83, %dma_start3A_106] : memref<10240x128xi32, #tpu.memory_space<vmem_shared>> -> memref<80x128xi32, #tpu.memory_space<vmem_shared>>
      %dma_start3A_108 = arith.constant 0 : i32
      %dma_start3A_109 = tpu.memref_slice %arg15[%add3A_83, %dma_start3A_108] : memref<10240x128xi32, #tpu.memory_space<vmem_shared>> -> memref<80x128xi32, #tpu.memory_space<vmem_shared>>
      tpu.enqueue_dma source(%dma_start3A_109 : memref<80x128xi32, #tpu.memory_space<vmem_shared>>) target(%arg13 : memref<80x128xi32, #tpu.memory_space<vmem>>) target_semaphore(%run_scoped3A : memref<!tpu.dma_semaphore, #tpu.memory_space<semaphore_mem>>)
      %dma_wait3A_110 = arith.constant 0 : i32
      %dma_wait3A_111 = tpu.memref_slice %arg15[%add3A_83, %dma_wait3A_110] : memref<10240x128xi32, #tpu.memory_space<vmem_shared>> -> memref<80x128xi32, #tpu.memory_space<vmem_shared>>
      %dma_wait3A_112 = arith.constant 0 : i32
      %dma_wait3A_113 = tpu.memref_slice %arg15[%add3A_83, %dma_wait3A_112] : memref<10240x128xi32, #tpu.memory_space<vmem_shared>> -> memref<80x128xi32, #tpu.memory_space<vmem_shared>>
      tpu.wait_dma2 semaphore(%run_scoped3A : memref<!tpu.dma_semaphore, #tpu.memory_space<semaphore_mem>>) src(%dma_wait3A_113 : memref<80x128xi32, #tpu.memory_space<vmem_shared>>) dst(%arg13 : memref<80x128xi32, #tpu.memory_space<vmem>>)
      tpu.yield
    }) : () -> ()
    %add3A_84 = arith.constant 160 : i32
    %add3A_85 = arith.addi %mul3A_42, %add3A_84 : i32
    "tpu.region"() ({
      %run_scoped3A = tpu.sem_alloc : memref<!tpu.dma_semaphore, #tpu.memory_space<semaphore_mem>>
      %dma_start3A_106 = arith.constant 0 : i32
      %dma_start3A_107 = arith.constant 0 : i32
      %dma_start3A_108 = tpu.memref_slice %arg9[%arg0, %dma_start3A_106, %dma_start3A_107] : memref<2x10240x128xi32, #tpu.memory_space<hbm>> -> memref<1x10240x128xi32, #tpu.memory_space<hbm>>
      %dma_start3A_109 = tpu.memref_squeeze %dma_start3A_108 : memref<1x10240x128xi32, #tpu.memory_space<hbm>> -> memref<10240x128xi32, #tpu.memory_space<hbm>>
      %dma_start3A_110 = arith.constant 0 : i32
      %dma_start3A_111 = tpu.memref_slice %dma_start3A_109[%add3A_85, %dma_start3A_110] : memref<10240x128xi32, #tpu.memory_space<hbm>> -> memref<80x128xi32, #tpu.memory_space<hbm>>
      %dma_start3A_112 = arith.constant 0 : i32
      %dma_start3A_113 = arith.constant 0 : i32
      %dma_start3A_114 = tpu.memref_slice %arg9[%arg0, %dma_start3A_112, %dma_start3A_113] : memref<2x10240x128xi32, #tpu.memory_space<hbm>> -> memref<1x10240x128xi32, #tpu.memory_space<hbm>>
      %dma_start3A_115 = tpu.memref_squeeze %dma_start3A_114 : memref<1x10240x128xi32, #tpu.memory_space<hbm>> -> memref<10240x128xi32, #tpu.memory_space<hbm>>
      %dma_start3A_116 = arith.constant 0 : i32
      %dma_start3A_117 = tpu.memref_slice %dma_start3A_115[%add3A_85, %dma_start3A_116] : memref<10240x128xi32, #tpu.memory_space<hbm>> -> memref<80x128xi32, #tpu.memory_space<hbm>>
      tpu.enqueue_dma source(%arg13 : memref<80x128xi32, #tpu.memory_space<vmem>>) target(%dma_start3A_117 : memref<80x128xi32, #tpu.memory_space<hbm>>) target_semaphore(%run_scoped3A : memref<!tpu.dma_semaphore, #tpu.memory_space<semaphore_mem>>)
      %dma_wait3A_118 = arith.constant 0 : i32
      %dma_wait3A_119 = arith.constant 0 : i32
      %dma_wait3A_120 = tpu.memref_slice %arg9[%arg0, %dma_wait3A_118, %dma_wait3A_119] : memref<2x10240x128xi32, #tpu.memory_space<hbm>> -> memref<1x10240x128xi32, #tpu.memory_space<hbm>>
      %dma_wait3A_121 = tpu.memref_squeeze %dma_wait3A_120 : memref<1x10240x128xi32, #tpu.memory_space<hbm>> -> memref<10240x128xi32, #tpu.memory_space<hbm>>
      %dma_wait3A_122 = arith.constant 0 : i32
      %dma_wait3A_123 = tpu.memref_slice %dma_wait3A_121[%add3A_85, %dma_wait3A_122] : memref<10240x128xi32, #tpu.memory_space<hbm>> -> memref<80x128xi32, #tpu.memory_space<hbm>>
      %dma_wait3A_124 = arith.constant 0 : i32
      %dma_wait3A_125 = arith.constant 0 : i32
      %dma_wait3A_126 = tpu.memref_slice %arg9[%arg0, %dma_wait3A_124, %dma_wait3A_125] : memref<2x10240x128xi32, #tpu.memory_space<hbm>> -> memref<1x10240x128xi32, #tpu.memory_space<hbm>>
      %dma_wait3A_127 = tpu.memref_squeeze %dma_wait3A_126 : memref<1x10240x128xi32, #tpu.memory_space<hbm>> -> memref<10240x128xi32, #tpu.memory_space<hbm>>
      %dma_wait3A_128 = arith.constant 0 : i32
      %dma_wait3A_129 = tpu.memref_slice %dma_wait3A_127[%add3A_85, %dma_wait3A_128] : memref<10240x128xi32, #tpu.memory_space<hbm>> -> memref<80x128xi32, #tpu.memory_space<hbm>>
      tpu.wait_dma2 semaphore(%run_scoped3A : memref<!tpu.dma_semaphore, #tpu.memory_space<semaphore_mem>>) src(%arg13 : memref<80x128xi32, #tpu.memory_space<vmem>>) dst(%dma_wait3A_129 : memref<80x128xi32, #tpu.memory_space<hbm>>)
      tpu.yield
    }) : () -> ()
    %add3A_86 = arith.constant 240 : i32
    %add3A_87 = arith.addi %mul3A_42, %add3A_86 : i32
    "tpu.region"() ({
      %run_scoped3A = tpu.sem_alloc : memref<!tpu.dma_semaphore, #tpu.memory_space<semaphore_mem>>
      %dma_start3A_106 = arith.constant 0 : i32
      %dma_start3A_107 = tpu.memref_slice %arg15[%add3A_87, %dma_start3A_106] : memref<10240x128xi32, #tpu.memory_space<vmem_shared>> -> memref<80x128xi32, #tpu.memory_space<vmem_shared>>
      %dma_start3A_108 = arith.constant 0 : i32
      %dma_start3A_109 = tpu.memref_slice %arg15[%add3A_87, %dma_start3A_108] : memref<10240x128xi32, #tpu.memory_space<vmem_shared>> -> memref<80x128xi32, #tpu.memory_space<vmem_shared>>
      tpu.enqueue_dma source(%dma_start3A_109 : memref<80x128xi32, #tpu.memory_space<vmem_shared>>) target(%arg13 : memref<80x128xi32, #tpu.memory_space<vmem>>) target_semaphore(%run_scoped3A : memref<!tpu.dma_semaphore, #tpu.memory_space<semaphore_mem>>)
      %dma_wait3A_110 = arith.constant 0 : i32
      %dma_wait3A_111 = tpu.memref_slice %arg15[%add3A_87, %dma_wait3A_110] : memref<10240x128xi32, #tpu.memory_space<vmem_shared>> -> memref<80x128xi32, #tpu.memory_space<vmem_shared>>
      %dma_wait3A_112 = arith.constant 0 : i32
      %dma_wait3A_113 = tpu.memref_slice %arg15[%add3A_87, %dma_wait3A_112] : memref<10240x128xi32, #tpu.memory_space<vmem_shared>> -> memref<80x128xi32, #tpu.memory_space<vmem_shared>>
      tpu.wait_dma2 semaphore(%run_scoped3A : memref<!tpu.dma_semaphore, #tpu.memory_space<semaphore_mem>>) src(%dma_wait3A_113 : memref<80x128xi32, #tpu.memory_space<vmem_shared>>) dst(%arg13 : memref<80x128xi32, #tpu.memory_space<vmem>>)
      tpu.yield
    }) : () -> ()
    %add3A_88 = arith.constant 240 : i32
    %add3A_89 = arith.addi %mul3A_42, %add3A_88 : i32
    "tpu.region"() ({
      %run_scoped3A = tpu.sem_alloc : memref<!tpu.dma_semaphore, #tpu.memory_space<semaphore_mem>>
      %dma_start3A_106 = arith.constant 0 : i32
      %dma_start3A_107 = arith.constant 0 : i32
      %dma_start3A_108 = tpu.memref_slice %arg9[%arg0, %dma_start3A_106, %dma_start3A_107] : memref<2x10240x128xi32, #tpu.memory_space<hbm>> -> memref<1x10240x128xi32, #tpu.memory_space<hbm>>
      %dma_start3A_109 = tpu.memref_squeeze %dma_start3A_108 : memref<1x10240x128xi32, #tpu.memory_space<hbm>> -> memref<10240x128xi32, #tpu.memory_space<hbm>>
      %dma_start3A_110 = arith.constant 0 : i32
      %dma_start3A_111 = tpu.memref_slice %dma_start3A_109[%add3A_89, %dma_start3A_110] : memref<10240x128xi32, #tpu.memory_space<hbm>> -> memref<80x128xi32, #tpu.memory_space<hbm>>
      %dma_start3A_112 = arith.constant 0 : i32
      %dma_start3A_113 = arith.constant 0 : i32
      %dma_start3A_114 = tpu.memref_slice %arg9[%arg0, %dma_start3A_112, %dma_start3A_113] : memref<2x10240x128xi32, #tpu.memory_space<hbm>> -> memref<1x10240x128xi32, #tpu.memory_space<hbm>>
      %dma_start3A_115 = tpu.memref_squeeze %dma_start3A_114 : memref<1x10240x128xi32, #tpu.memory_space<hbm>> -> memref<10240x128xi32, #tpu.memory_space<hbm>>
      %dma_start3A_116 = arith.constant 0 : i32
      %dma_start3A_117 = tpu.memref_slice %dma_start3A_115[%add3A_89, %dma_start3A_116] : memref<10240x128xi32, #tpu.memory_space<hbm>> -> memref<80x128xi32, #tpu.memory_space<hbm>>
      tpu.enqueue_dma source(%arg13 : memref<80x128xi32, #tpu.memory_space<vmem>>) target(%dma_start3A_117 : memref<80x128xi32, #tpu.memory_space<hbm>>) target_semaphore(%run_scoped3A : memref<!tpu.dma_semaphore, #tpu.memory_space<semaphore_mem>>)
      %dma_wait3A_118 = arith.constant 0 : i32
      %dma_wait3A_119 = arith.constant 0 : i32
      %dma_wait3A_120 = tpu.memref_slice %arg9[%arg0, %dma_wait3A_118, %dma_wait3A_119] : memref<2x10240x128xi32, #tpu.memory_space<hbm>> -> memref<1x10240x128xi32, #tpu.memory_space<hbm>>
      %dma_wait3A_121 = tpu.memref_squeeze %dma_wait3A_120 : memref<1x10240x128xi32, #tpu.memory_space<hbm>> -> memref<10240x128xi32, #tpu.memory_space<hbm>>
      %dma_wait3A_122 = arith.constant 0 : i32
      %dma_wait3A_123 = tpu.memref_slice %dma_wait3A_121[%add3A_89, %dma_wait3A_122] : memref<10240x128xi32, #tpu.memory_space<hbm>> -> memref<80x128xi32, #tpu.memory_space<hbm>>
      %dma_wait3A_124 = arith.constant 0 : i32
      %dma_wait3A_125 = arith.constant 0 : i32
      %dma_wait3A_126 = tpu.memref_slice %arg9[%arg0, %dma_wait3A_124, %dma_wait3A_125] : memref<2x10240x128xi32, #tpu.memory_space<hbm>> -> memref<1x10240x128xi32, #tpu.memory_space<hbm>>
      %dma_wait3A_127 = tpu.memref_squeeze %dma_wait3A_126 : memref<1x10240x128xi32, #tpu.memory_space<hbm>> -> memref<10240x128xi32, #tpu.memory_space<hbm>>
      %dma_wait3A_128 = arith.constant 0 : i32
      %dma_wait3A_129 = tpu.memref_slice %dma_wait3A_127[%add3A_89, %dma_wait3A_128] : memref<10240x128xi32, #tpu.memory_space<hbm>> -> memref<80x128xi32, #tpu.memory_space<hbm>>
      tpu.wait_dma2 semaphore(%run_scoped3A : memref<!tpu.dma_semaphore, #tpu.memory_space<semaphore_mem>>) src(%arg13 : memref<80x128xi32, #tpu.memory_space<vmem>>) dst(%dma_wait3A_129 : memref<80x128xi32, #tpu.memory_space<hbm>>)
      tpu.yield
    }) : () -> ()
    %add3A_90 = arith.constant 320 : i32
    %add3A_91 = arith.addi %mul3A_42, %add3A_90 : i32
    "tpu.region"() ({
      %run_scoped3A = tpu.sem_alloc : memref<!tpu.dma_semaphore, #tpu.memory_space<semaphore_mem>>
      %dma_start3A_106 = arith.constant 0 : i32
      %dma_start3A_107 = tpu.memref_slice %arg15[%add3A_91, %dma_start3A_106] : memref<10240x128xi32, #tpu.memory_space<vmem_shared>> -> memref<80x128xi32, #tpu.memory_space<vmem_shared>>
      %dma_start3A_108 = arith.constant 0 : i32
      %dma_start3A_109 = tpu.memref_slice %arg15[%add3A_91, %dma_start3A_108] : memref<10240x128xi32, #tpu.memory_space<vmem_shared>> -> memref<80x128xi32, #tpu.memory_space<vmem_shared>>
      tpu.enqueue_dma source(%dma_start3A_109 : memref<80x128xi32, #tpu.memory_space<vmem_shared>>) target(%arg13 : memref<80x128xi32, #tpu.memory_space<vmem>>) target_semaphore(%run_scoped3A : memref<!tpu.dma_semaphore, #tpu.memory_space<semaphore_mem>>)
      %dma_wait3A_110 = arith.constant 0 : i32
      %dma_wait3A_111 = tpu.memref_slice %arg15[%add3A_91, %dma_wait3A_110] : memref<10240x128xi32, #tpu.memory_space<vmem_shared>> -> memref<80x128xi32, #tpu.memory_space<vmem_shared>>
      %dma_wait3A_112 = arith.constant 0 : i32
      %dma_wait3A_113 = tpu.memref_slice %arg15[%add3A_91, %dma_wait3A_112] : memref<10240x128xi32, #tpu.memory_space<vmem_shared>> -> memref<80x128xi32, #tpu.memory_space<vmem_shared>>
      tpu.wait_dma2 semaphore(%run_scoped3A : memref<!tpu.dma_semaphore, #tpu.memory_space<semaphore_mem>>) src(%dma_wait3A_113 : memref<80x128xi32, #tpu.memory_space<vmem_shared>>) dst(%arg13 : memref<80x128xi32, #tpu.memory_space<vmem>>)
      tpu.yield
    }) : () -> ()
    %add3A_92 = arith.constant 320 : i32
    %add3A_93 = arith.addi %mul3A_42, %add3A_92 : i32
    "tpu.region"() ({
      %run_scoped3A = tpu.sem_alloc : memref<!tpu.dma_semaphore, #tpu.memory_space<semaphore_mem>>
      %dma_start3A_106 = arith.constant 0 : i32
      %dma_start3A_107 = arith.constant 0 : i32
      %dma_start3A_108 = tpu.memref_slice %arg9[%arg0, %dma_start3A_106, %dma_start3A_107] : memref<2x10240x128xi32, #tpu.memory_space<hbm>> -> memref<1x10240x128xi32, #tpu.memory_space<hbm>>
      %dma_start3A_109 = tpu.memref_squeeze %dma_start3A_108 : memref<1x10240x128xi32, #tpu.memory_space<hbm>> -> memref<10240x128xi32, #tpu.memory_space<hbm>>
      %dma_start3A_110 = arith.constant 0 : i32
      %dma_start3A_111 = tpu.memref_slice %dma_start3A_109[%add3A_93, %dma_start3A_110] : memref<10240x128xi32, #tpu.memory_space<hbm>> -> memref<80x128xi32, #tpu.memory_space<hbm>>
      %dma_start3A_112 = arith.constant 0 : i32
      %dma_start3A_113 = arith.constant 0 : i32
      %dma_start3A_114 = tpu.memref_slice %arg9[%arg0, %dma_start3A_112, %dma_start3A_113] : memref<2x10240x128xi32, #tpu.memory_space<hbm>> -> memref<1x10240x128xi32, #tpu.memory_space<hbm>>
      %dma_start3A_115 = tpu.memref_squeeze %dma_start3A_114 : memref<1x10240x128xi32, #tpu.memory_space<hbm>> -> memref<10240x128xi32, #tpu.memory_space<hbm>>
      %dma_start3A_116 = arith.constant 0 : i32
      %dma_start3A_117 = tpu.memref_slice %dma_start3A_115[%add3A_93, %dma_start3A_116] : memref<10240x128xi32, #tpu.memory_space<hbm>> -> memref<80x128xi32, #tpu.memory_space<hbm>>
      tpu.enqueue_dma source(%arg13 : memref<80x128xi32, #tpu.memory_space<vmem>>) target(%dma_start3A_117 : memref<80x128xi32, #tpu.memory_space<hbm>>) target_semaphore(%run_scoped3A : memref<!tpu.dma_semaphore, #tpu.memory_space<semaphore_mem>>)
      %dma_wait3A_118 = arith.constant 0 : i32
      %dma_wait3A_119 = arith.constant 0 : i32
      %dma_wait3A_120 = tpu.memref_slice %arg9[%arg0, %dma_wait3A_118, %dma_wait3A_119] : memref<2x10240x128xi32, #tpu.memory_space<hbm>> -> memref<1x10240x128xi32, #tpu.memory_space<hbm>>
      %dma_wait3A_121 = tpu.memref_squeeze %dma_wait3A_120 : memref<1x10240x128xi32, #tpu.memory_space<hbm>> -> memref<10240x128xi32, #tpu.memory_space<hbm>>
      %dma_wait3A_122 = arith.constant 0 : i32
      %dma_wait3A_123 = tpu.memref_slice %dma_wait3A_121[%add3A_93, %dma_wait3A_122] : memref<10240x128xi32, #tpu.memory_space<hbm>> -> memref<80x128xi32, #tpu.memory_space<hbm>>
      %dma_wait3A_124 = arith.constant 0 : i32
      %dma_wait3A_125 = arith.constant 0 : i32
      %dma_wait3A_126 = tpu.memref_slice %arg9[%arg0, %dma_wait3A_124, %dma_wait3A_125] : memref<2x10240x128xi32, #tpu.memory_space<hbm>> -> memref<1x10240x128xi32, #tpu.memory_space<hbm>>
      %dma_wait3A_127 = tpu.memref_squeeze %dma_wait3A_126 : memref<1x10240x128xi32, #tpu.memory_space<hbm>> -> memref<10240x128xi32, #tpu.memory_space<hbm>>
      %dma_wait3A_128 = arith.constant 0 : i32
      %dma_wait3A_129 = tpu.memref_slice %dma_wait3A_127[%add3A_93, %dma_wait3A_128] : memref<10240x128xi32, #tpu.memory_space<hbm>> -> memref<80x128xi32, #tpu.memory_space<hbm>>
      tpu.wait_dma2 semaphore(%run_scoped3A : memref<!tpu.dma_semaphore, #tpu.memory_space<semaphore_mem>>) src(%arg13 : memref<80x128xi32, #tpu.memory_space<vmem>>) dst(%dma_wait3A_129 : memref<80x128xi32, #tpu.memory_space<hbm>>)
      tpu.yield
    }) : () -> ()
    %add3A_94 = arith.constant 400 : i32
    %add3A_95 = arith.addi %mul3A_42, %add3A_94 : i32
    "tpu.region"() ({
      %run_scoped3A = tpu.sem_alloc : memref<!tpu.dma_semaphore, #tpu.memory_space<semaphore_mem>>
      %dma_start3A_106 = arith.constant 0 : i32
      %dma_start3A_107 = tpu.memref_slice %arg15[%add3A_95, %dma_start3A_106] : memref<10240x128xi32, #tpu.memory_space<vmem_shared>> -> memref<80x128xi32, #tpu.memory_space<vmem_shared>>
      %dma_start3A_108 = arith.constant 0 : i32
      %dma_start3A_109 = tpu.memref_slice %arg15[%add3A_95, %dma_start3A_108] : memref<10240x128xi32, #tpu.memory_space<vmem_shared>> -> memref<80x128xi32, #tpu.memory_space<vmem_shared>>
      tpu.enqueue_dma source(%dma_start3A_109 : memref<80x128xi32, #tpu.memory_space<vmem_shared>>) target(%arg13 : memref<80x128xi32, #tpu.memory_space<vmem>>) target_semaphore(%run_scoped3A : memref<!tpu.dma_semaphore, #tpu.memory_space<semaphore_mem>>)
      %dma_wait3A_110 = arith.constant 0 : i32
      %dma_wait3A_111 = tpu.memref_slice %arg15[%add3A_95, %dma_wait3A_110] : memref<10240x128xi32, #tpu.memory_space<vmem_shared>> -> memref<80x128xi32, #tpu.memory_space<vmem_shared>>
      %dma_wait3A_112 = arith.constant 0 : i32
      %dma_wait3A_113 = tpu.memref_slice %arg15[%add3A_95, %dma_wait3A_112] : memref<10240x128xi32, #tpu.memory_space<vmem_shared>> -> memref<80x128xi32, #tpu.memory_space<vmem_shared>>
      tpu.wait_dma2 semaphore(%run_scoped3A : memref<!tpu.dma_semaphore, #tpu.memory_space<semaphore_mem>>) src(%dma_wait3A_113 : memref<80x128xi32, #tpu.memory_space<vmem_shared>>) dst(%arg13 : memref<80x128xi32, #tpu.memory_space<vmem>>)
      tpu.yield
    }) : () -> ()
    %add3A_96 = arith.constant 400 : i32
    %add3A_97 = arith.addi %mul3A_42, %add3A_96 : i32
    "tpu.region"() ({
      %run_scoped3A = tpu.sem_alloc : memref<!tpu.dma_semaphore, #tpu.memory_space<semaphore_mem>>
      %dma_start3A_106 = arith.constant 0 : i32
      %dma_start3A_107 = arith.constant 0 : i32
      %dma_start3A_108 = tpu.memref_slice %arg9[%arg0, %dma_start3A_106, %dma_start3A_107] : memref<2x10240x128xi32, #tpu.memory_space<hbm>> -> memref<1x10240x128xi32, #tpu.memory_space<hbm>>
      %dma_start3A_109 = tpu.memref_squeeze %dma_start3A_108 : memref<1x10240x128xi32, #tpu.memory_space<hbm>> -> memref<10240x128xi32, #tpu.memory_space<hbm>>
      %dma_start3A_110 = arith.constant 0 : i32
      %dma_start3A_111 = tpu.memref_slice %dma_start3A_109[%add3A_97, %dma_start3A_110] : memref<10240x128xi32, #tpu.memory_space<hbm>> -> memref<80x128xi32, #tpu.memory_space<hbm>>
      %dma_start3A_112 = arith.constant 0 : i32
      %dma_start3A_113 = arith.constant 0 : i32
      %dma_start3A_114 = tpu.memref_slice %arg9[%arg0, %dma_start3A_112, %dma_start3A_113] : memref<2x10240x128xi32, #tpu.memory_space<hbm>> -> memref<1x10240x128xi32, #tpu.memory_space<hbm>>
      %dma_start3A_115 = tpu.memref_squeeze %dma_start3A_114 : memref<1x10240x128xi32, #tpu.memory_space<hbm>> -> memref<10240x128xi32, #tpu.memory_space<hbm>>
      %dma_start3A_116 = arith.constant 0 : i32
      %dma_start3A_117 = tpu.memref_slice %dma_start3A_115[%add3A_97, %dma_start3A_116] : memref<10240x128xi32, #tpu.memory_space<hbm>> -> memref<80x128xi32, #tpu.memory_space<hbm>>
      tpu.enqueue_dma source(%arg13 : memref<80x128xi32, #tpu.memory_space<vmem>>) target(%dma_start3A_117 : memref<80x128xi32, #tpu.memory_space<hbm>>) target_semaphore(%run_scoped3A : memref<!tpu.dma_semaphore, #tpu.memory_space<semaphore_mem>>)
      %dma_wait3A_118 = arith.constant 0 : i32
      %dma_wait3A_119 = arith.constant 0 : i32
      %dma_wait3A_120 = tpu.memref_slice %arg9[%arg0, %dma_wait3A_118, %dma_wait3A_119] : memref<2x10240x128xi32, #tpu.memory_space<hbm>> -> memref<1x10240x128xi32, #tpu.memory_space<hbm>>
      %dma_wait3A_121 = tpu.memref_squeeze %dma_wait3A_120 : memref<1x10240x128xi32, #tpu.memory_space<hbm>> -> memref<10240x128xi32, #tpu.memory_space<hbm>>
      %dma_wait3A_122 = arith.constant 0 : i32
      %dma_wait3A_123 = tpu.memref_slice %dma_wait3A_121[%add3A_97, %dma_wait3A_122] : memref<10240x128xi32, #tpu.memory_space<hbm>> -> memref<80x128xi32, #tpu.memory_space<hbm>>
      %dma_wait3A_124 = arith.constant 0 : i32
      %dma_wait3A_125 = arith.constant 0 : i32
      %dma_wait3A_126 = tpu.memref_slice %arg9[%arg0, %dma_wait3A_124, %dma_wait3A_125] : memref<2x10240x128xi32, #tpu.memory_space<hbm>> -> memref<1x10240x128xi32, #tpu.memory_space<hbm>>
      %dma_wait3A_127 = tpu.memref_squeeze %dma_wait3A_126 : memref<1x10240x128xi32, #tpu.memory_space<hbm>> -> memref<10240x128xi32, #tpu.memory_space<hbm>>
      %dma_wait3A_128 = arith.constant 0 : i32
      %dma_wait3A_129 = tpu.memref_slice %dma_wait3A_127[%add3A_97, %dma_wait3A_128] : memref<10240x128xi32, #tpu.memory_space<hbm>> -> memref<80x128xi32, #tpu.memory_space<hbm>>
      tpu.wait_dma2 semaphore(%run_scoped3A : memref<!tpu.dma_semaphore, #tpu.memory_space<semaphore_mem>>) src(%arg13 : memref<80x128xi32, #tpu.memory_space<vmem>>) dst(%dma_wait3A_129 : memref<80x128xi32, #tpu.memory_space<hbm>>)
      tpu.yield
    }) : () -> ()
    %add3A_98 = arith.constant 480 : i32
    %add3A_99 = arith.addi %mul3A_42, %add3A_98 : i32
    "tpu.region"() ({
      %run_scoped3A = tpu.sem_alloc : memref<!tpu.dma_semaphore, #tpu.memory_space<semaphore_mem>>
      %dma_start3A_106 = arith.constant 0 : i32
      %dma_start3A_107 = tpu.memref_slice %arg15[%add3A_99, %dma_start3A_106] : memref<10240x128xi32, #tpu.memory_space<vmem_shared>> -> memref<80x128xi32, #tpu.memory_space<vmem_shared>>
      %dma_start3A_108 = arith.constant 0 : i32
      %dma_start3A_109 = tpu.memref_slice %arg15[%add3A_99, %dma_start3A_108] : memref<10240x128xi32, #tpu.memory_space<vmem_shared>> -> memref<80x128xi32, #tpu.memory_space<vmem_shared>>
      tpu.enqueue_dma source(%dma_start3A_109 : memref<80x128xi32, #tpu.memory_space<vmem_shared>>) target(%arg13 : memref<80x128xi32, #tpu.memory_space<vmem>>) target_semaphore(%run_scoped3A : memref<!tpu.dma_semaphore, #tpu.memory_space<semaphore_mem>>)
      %dma_wait3A_110 = arith.constant 0 : i32
      %dma_wait3A_111 = tpu.memref_slice %arg15[%add3A_99, %dma_wait3A_110] : memref<10240x128xi32, #tpu.memory_space<vmem_shared>> -> memref<80x128xi32, #tpu.memory_space<vmem_shared>>
      %dma_wait3A_112 = arith.constant 0 : i32
      %dma_wait3A_113 = tpu.memref_slice %arg15[%add3A_99, %dma_wait3A_112] : memref<10240x128xi32, #tpu.memory_space<vmem_shared>> -> memref<80x128xi32, #tpu.memory_space<vmem_shared>>
      tpu.wait_dma2 semaphore(%run_scoped3A : memref<!tpu.dma_semaphore, #tpu.memory_space<semaphore_mem>>) src(%dma_wait3A_113 : memref<80x128xi32, #tpu.memory_space<vmem_shared>>) dst(%arg13 : memref<80x128xi32, #tpu.memory_space<vmem>>)
      tpu.yield
    }) : () -> ()
    %add3A_100 = arith.constant 480 : i32
    %add3A_101 = arith.addi %mul3A_42, %add3A_100 : i32
    "tpu.region"() ({
      %run_scoped3A = tpu.sem_alloc : memref<!tpu.dma_semaphore, #tpu.memory_space<semaphore_mem>>
      %dma_start3A_106 = arith.constant 0 : i32
      %dma_start3A_107 = arith.constant 0 : i32
      %dma_start3A_108 = tpu.memref_slice %arg9[%arg0, %dma_start3A_106, %dma_start3A_107] : memref<2x10240x128xi32, #tpu.memory_space<hbm>> -> memref<1x10240x128xi32, #tpu.memory_space<hbm>>
      %dma_start3A_109 = tpu.memref_squeeze %dma_start3A_108 : memref<1x10240x128xi32, #tpu.memory_space<hbm>> -> memref<10240x128xi32, #tpu.memory_space<hbm>>
      %dma_start3A_110 = arith.constant 0 : i32
      %dma_start3A_111 = tpu.memref_slice %dma_start3A_109[%add3A_101, %dma_start3A_110] : memref<10240x128xi32, #tpu.memory_space<hbm>> -> memref<80x128xi32, #tpu.memory_space<hbm>>
      %dma_start3A_112 = arith.constant 0 : i32
      %dma_start3A_113 = arith.constant 0 : i32
      %dma_start3A_114 = tpu.memref_slice %arg9[%arg0, %dma_start3A_112, %dma_start3A_113] : memref<2x10240x128xi32, #tpu.memory_space<hbm>> -> memref<1x10240x128xi32, #tpu.memory_space<hbm>>
      %dma_start3A_115 = tpu.memref_squeeze %dma_start3A_114 : memref<1x10240x128xi32, #tpu.memory_space<hbm>> -> memref<10240x128xi32, #tpu.memory_space<hbm>>
      %dma_start3A_116 = arith.constant 0 : i32
      %dma_start3A_117 = tpu.memref_slice %dma_start3A_115[%add3A_101, %dma_start3A_116] : memref<10240x128xi32, #tpu.memory_space<hbm>> -> memref<80x128xi32, #tpu.memory_space<hbm>>
      tpu.enqueue_dma source(%arg13 : memref<80x128xi32, #tpu.memory_space<vmem>>) target(%dma_start3A_117 : memref<80x128xi32, #tpu.memory_space<hbm>>) target_semaphore(%run_scoped3A : memref<!tpu.dma_semaphore, #tpu.memory_space<semaphore_mem>>)
      %dma_wait3A_118 = arith.constant 0 : i32
      %dma_wait3A_119 = arith.constant 0 : i32
      %dma_wait3A_120 = tpu.memref_slice %arg9[%arg0, %dma_wait3A_118, %dma_wait3A_119] : memref<2x10240x128xi32, #tpu.memory_space<hbm>> -> memref<1x10240x128xi32, #tpu.memory_space<hbm>>
      %dma_wait3A_121 = tpu.memref_squeeze %dma_wait3A_120 : memref<1x10240x128xi32, #tpu.memory_space<hbm>> -> memref<10240x128xi32, #tpu.memory_space<hbm>>
      %dma_wait3A_122 = arith.constant 0 : i32
      %dma_wait3A_123 = tpu.memref_slice %dma_wait3A_121[%add3A_101, %dma_wait3A_122] : memref<10240x128xi32, #tpu.memory_space<hbm>> -> memref<80x128xi32, #tpu.memory_space<hbm>>
      %dma_wait3A_124 = arith.constant 0 : i32
      %dma_wait3A_125 = arith.constant 0 : i32
      %dma_wait3A_126 = tpu.memref_slice %arg9[%arg0, %dma_wait3A_124, %dma_wait3A_125] : memref<2x10240x128xi32, #tpu.memory_space<hbm>> -> memref<1x10240x128xi32, #tpu.memory_space<hbm>>
      %dma_wait3A_127 = tpu.memref_squeeze %dma_wait3A_126 : memref<1x10240x128xi32, #tpu.memory_space<hbm>> -> memref<10240x128xi32, #tpu.memory_space<hbm>>
      %dma_wait3A_128 = arith.constant 0 : i32
      %dma_wait3A_129 = tpu.memref_slice %dma_wait3A_127[%add3A_101, %dma_wait3A_128] : memref<10240x128xi32, #tpu.memory_space<hbm>> -> memref<80x128xi32, #tpu.memory_space<hbm>>
      tpu.wait_dma2 semaphore(%run_scoped3A : memref<!tpu.dma_semaphore, #tpu.memory_space<semaphore_mem>>) src(%arg13 : memref<80x128xi32, #tpu.memory_space<vmem>>) dst(%dma_wait3A_129 : memref<80x128xi32, #tpu.memory_space<hbm>>)
      tpu.yield
    }) : () -> ()
    %add3A_102 = arith.constant 560 : i32
    %add3A_103 = arith.addi %mul3A_42, %add3A_102 : i32
    "tpu.region"() ({
      %run_scoped3A = tpu.sem_alloc : memref<!tpu.dma_semaphore, #tpu.memory_space<semaphore_mem>>
      %dma_start3A_106 = arith.constant 0 : i32
      %dma_start3A_107 = tpu.memref_slice %arg15[%add3A_103, %dma_start3A_106] : memref<10240x128xi32, #tpu.memory_space<vmem_shared>> -> memref<80x128xi32, #tpu.memory_space<vmem_shared>>
      %dma_start3A_108 = arith.constant 0 : i32
      %dma_start3A_109 = tpu.memref_slice %arg15[%add3A_103, %dma_start3A_108] : memref<10240x128xi32, #tpu.memory_space<vmem_shared>> -> memref<80x128xi32, #tpu.memory_space<vmem_shared>>
      tpu.enqueue_dma source(%dma_start3A_109 : memref<80x128xi32, #tpu.memory_space<vmem_shared>>) target(%arg13 : memref<80x128xi32, #tpu.memory_space<vmem>>) target_semaphore(%run_scoped3A : memref<!tpu.dma_semaphore, #tpu.memory_space<semaphore_mem>>)
      %dma_wait3A_110 = arith.constant 0 : i32
      %dma_wait3A_111 = tpu.memref_slice %arg15[%add3A_103, %dma_wait3A_110] : memref<10240x128xi32, #tpu.memory_space<vmem_shared>> -> memref<80x128xi32, #tpu.memory_space<vmem_shared>>
      %dma_wait3A_112 = arith.constant 0 : i32
      %dma_wait3A_113 = tpu.memref_slice %arg15[%add3A_103, %dma_wait3A_112] : memref<10240x128xi32, #tpu.memory_space<vmem_shared>> -> memref<80x128xi32, #tpu.memory_space<vmem_shared>>
      tpu.wait_dma2 semaphore(%run_scoped3A : memref<!tpu.dma_semaphore, #tpu.memory_space<semaphore_mem>>) src(%dma_wait3A_113 : memref<80x128xi32, #tpu.memory_space<vmem_shared>>) dst(%arg13 : memref<80x128xi32, #tpu.memory_space<vmem>>)
      tpu.yield
    }) : () -> ()
    %add3A_104 = arith.constant 560 : i32
    %add3A_105 = arith.addi %mul3A_42, %add3A_104 : i32
    "tpu.region"() ({
      %run_scoped3A = tpu.sem_alloc : memref<!tpu.dma_semaphore, #tpu.memory_space<semaphore_mem>>
      %dma_start3A_106 = arith.constant 0 : i32
      %dma_start3A_107 = arith.constant 0 : i32
      %dma_start3A_108 = tpu.memref_slice %arg9[%arg0, %dma_start3A_106, %dma_start3A_107] : memref<2x10240x128xi32, #tpu.memory_space<hbm>> -> memref<1x10240x128xi32, #tpu.memory_space<hbm>>
      %dma_start3A_109 = tpu.memref_squeeze %dma_start3A_108 : memref<1x10240x128xi32, #tpu.memory_space<hbm>> -> memref<10240x128xi32, #tpu.memory_space<hbm>>
      %dma_start3A_110 = arith.constant 0 : i32
      %dma_start3A_111 = tpu.memref_slice %dma_start3A_109[%add3A_105, %dma_start3A_110] : memref<10240x128xi32, #tpu.memory_space<hbm>> -> memref<80x128xi32, #tpu.memory_space<hbm>>
      %dma_start3A_112 = arith.constant 0 : i32
      %dma_start3A_113 = arith.constant 0 : i32
      %dma_start3A_114 = tpu.memref_slice %arg9[%arg0, %dma_start3A_112, %dma_start3A_113] : memref<2x10240x128xi32, #tpu.memory_space<hbm>> -> memref<1x10240x128xi32, #tpu.memory_space<hbm>>
      %dma_start3A_115 = tpu.memref_squeeze %dma_start3A_114 : memref<1x10240x128xi32, #tpu.memory_space<hbm>> -> memref<10240x128xi32, #tpu.memory_space<hbm>>
      %dma_start3A_116 = arith.constant 0 : i32
      %dma_start3A_117 = tpu.memref_slice %dma_start3A_115[%add3A_105, %dma_start3A_116] : memref<10240x128xi32, #tpu.memory_space<hbm>> -> memref<80x128xi32, #tpu.memory_space<hbm>>
      tpu.enqueue_dma source(%arg13 : memref<80x128xi32, #tpu.memory_space<vmem>>) target(%dma_start3A_117 : memref<80x128xi32, #tpu.memory_space<hbm>>) target_semaphore(%run_scoped3A : memref<!tpu.dma_semaphore, #tpu.memory_space<semaphore_mem>>)
      %dma_wait3A_118 = arith.constant 0 : i32
      %dma_wait3A_119 = arith.constant 0 : i32
      %dma_wait3A_120 = tpu.memref_slice %arg9[%arg0, %dma_wait3A_118, %dma_wait3A_119] : memref<2x10240x128xi32, #tpu.memory_space<hbm>> -> memref<1x10240x128xi32, #tpu.memory_space<hbm>>
      %dma_wait3A_121 = tpu.memref_squeeze %dma_wait3A_120 : memref<1x10240x128xi32, #tpu.memory_space<hbm>> -> memref<10240x128xi32, #tpu.memory_space<hbm>>
      %dma_wait3A_122 = arith.constant 0 : i32
      %dma_wait3A_123 = tpu.memref_slice %dma_wait3A_121[%add3A_105, %dma_wait3A_122] : memref<10240x128xi32, #tpu.memory_space<hbm>> -> memref<80x128xi32, #tpu.memory_space<hbm>>
      %dma_wait3A_124 = arith.constant 0 : i32
      %dma_wait3A_125 = arith.constant 0 : i32
      %dma_wait3A_126 = tpu.memref_slice %arg9[%arg0, %dma_wait3A_124, %dma_wait3A_125] : memref<2x10240x128xi32, #tpu.memory_space<hbm>> -> memref<1x10240x128xi32, #tpu.memory_space<hbm>>
      %dma_wait3A_127 = tpu.memref_squeeze %dma_wait3A_126 : memref<1x10240x128xi32, #tpu.memory_space<hbm>> -> memref<10240x128xi32, #tpu.memory_space<hbm>>
      %dma_wait3A_128 = arith.constant 0 : i32
      %dma_wait3A_129 = tpu.memref_slice %dma_wait3A_127[%add3A_105, %dma_wait3A_128] : memref<10240x128xi32, #tpu.memory_space<hbm>> -> memref<80x128xi32, #tpu.memory_space<hbm>>
      tpu.wait_dma2 semaphore(%run_scoped3A : memref<!tpu.dma_semaphore, #tpu.memory_space<semaphore_mem>>) src(%arg13 : memref<80x128xi32, #tpu.memory_space<vmem>>) dst(%dma_wait3A_129 : memref<80x128xi32, #tpu.memory_space<hbm>>)
      tpu.yield
    }) : () -> ()
    return
  }
}

module attributes {stable_mosaic.version = 14 : i64} {
  func.func @_tc_body(%arg0: i32, %arg1: memref<2000x128xf32, #tpu.memory_space<vmem>>, %arg2: memref<2000x128xi32, #tpu.memory_space<vmem>>, %arg3: memref<2000x128xi32, #tpu.memory_space<vmem>>, %arg4: memref<128x128xf32, #tpu.memory_space<vmem>>, %arg5: memref<128x128xf32, #tpu.memory_space<vmem>>, %arg6: memref<1x128xf32, #tpu.memory_space<vmem>>, %arg7: memref<1x128xf32, #tpu.memory_space<vmem>>) attributes {dimension_semantics = [#tpu.dimension_semantics<arbitrary>], iteration_bounds = array<i64: 5>, scalar_prefetch = 0 : i64, scratch_operands = 1 : i64, tpu.core_type = #tpu.core_type<tc>, window_params = [{transform_indices = @transform_0, window_bounds = array<i64: 2000, 128>}, {transform_indices = @transform_1, window_bounds = array<i64: 2000, 128>}, {transform_indices = @transform_2, window_bounds = array<i64: 2000, 128>}, {pipeline_mode = #tpu.pipeline_mode<synchronous>, transform_indices = @transform_3, window_bounds = array<i64: 128, 128>}, {pipeline_mode = #tpu.pipeline_mode<synchronous>, transform_indices = @transform_4, window_bounds = array<i64: 128, 128>}, {pipeline_mode = #tpu.pipeline_mode<synchronous>, transform_indices = @transform_5, window_bounds = array<i64: 1, 128>}]} {
    %eq3A = arith.constant 0 : i32
    %eq3A_0 = arith.cmpi eq, %arg0, %eq3A : i32
    %convert_element_type3A = arith.extui %eq3A_0 : i1 to i32
    %cond3A = arith.constant 0 : i32
    %cond3A_1 = arith.cmpi ne, %convert_element_type3A, %cond3A : i32
    scf.if %cond3A_1 {
      %broadcast_in_dim3A_37 = arith.constant 0.000000e+00 : f32
      %broadcast_in_dim3A_38 = vector.broadcast %broadcast_in_dim3A_37 : f32 to vector<1x128xf32>
      %swap3A_39 = arith.constant 0 : index
      %swap3A_40 = arith.constant 0 : index
      %swap3A_41 = vector.load %arg7[%swap3A_39, %swap3A_40] : memref<1x128xf32, #tpu.memory_space<vmem>>, vector<1x128xf32>
      tpu.vector_store %arg7[%swap3A_39, %swap3A_40], %broadcast_in_dim3A_38 {strides = array<i32>} : memref<1x128xf32, #tpu.memory_space<vmem>>, vector<1x128xf32>,
    } else {
    }
    %get3A = arith.constant 0 : index
    %get3A_2 = arith.constant 0 : index
    %get3A_3 = vector.load %arg1[%get3A, %get3A_2] : memref<2000x128xf32, #tpu.memory_space<vmem>>, vector<2000x128xf32>
    %get3A_4 = arith.constant 0 : index
    %get3A_5 = arith.constant 0 : index
    %get3A_6 = vector.load %arg4[%get3A_4, %get3A_5] : memref<128x128xf32, #tpu.memory_space<vmem>>, vector<128x128xf32>
    %dot_general3A = arith.constant dense<0.000000e+00> : vector<2000x128xf32>
    %dot_general3A_7 = tpu.matmul %get3A_3, %get3A_6, %dot_general3A {dimension_numbers = #tpu.dot_dimension_numbers<[1], [1], [0], [0], [0, 0, 1, 0], [], []>, precision = #tpu.contract_precision<fp32>, transpose_lhs_hint = false} : vector<2000x128xf32>, vector<128x128xf32>, vector<2000x128xf32> -> vector<2000x128xf32>
    %get3A_8 = arith.constant 0 : index
    %get3A_9 = arith.constant 0 : index
    %get3A_10 = vector.load %arg2[%get3A_8, %get3A_9] : memref<2000x128xi32, #tpu.memory_space<vmem>>, vector<2000x128xi32>
    %get3A_11 = arith.constant 0 : index
    %get3A_12 = arith.constant 0 : index
    %get3A_13 = vector.load %arg3[%get3A_11, %get3A_12] : memref<2000x128xi32, #tpu.memory_space<vmem>>, vector<2000x128xi32>
    %add3A = arith.addi %get3A_10, %get3A_13 : vector<2000x128xi32>
    %convert_element_type3A_14 = arith.sitofp %add3A : vector<2000x128xi32> to vector<2000x128xf32>
    %mul3A = arith.constant 2.38418579E-7 : f32
    %mul3A_15 = vector.broadcast %mul3A : f32 to vector<2000x128xf32>
    %mul3A_16 = arith.mulf %convert_element_type3A_14, %mul3A_15 : vector<2000x128xf32>
    %get3A_17 = arith.constant 0 : index
    %get3A_18 = arith.constant 0 : index
    %get3A_19 = vector.load %arg5[%get3A_17, %get3A_18] : memref<128x128xf32, #tpu.memory_space<vmem>>, vector<128x128xf32>
    %dot_general3A_20 = arith.constant dense<0.000000e+00> : vector<2000x128xf32>
    %dot_general3A_21 = tpu.matmul %mul3A_16, %get3A_19, %dot_general3A_20 {dimension_numbers = #tpu.dot_dimension_numbers<[1], [1], [0], [0], [0, 0, 1, 0], [], []>, precision = #tpu.contract_precision<fp32>, transpose_lhs_hint = false} : vector<2000x128xf32>, vector<128x128xf32>, vector<2000x128xf32> -> vector<2000x128xf32>
    %add3A_22 = arith.addf %dot_general3A_7, %dot_general3A_21 : vector<2000x128xf32>
    %max3A = arith.constant 0.000000e+00 : f32
    %max3A_23 = vector.broadcast %max3A : f32 to vector<2000x128xf32>
    %max3A_24 = arith.maximumf %add3A_22, %max3A_23 : vector<2000x128xf32>
    %get3A_25 = arith.constant 0 : index
    %get3A_26 = arith.constant 0 : index
    %get3A_27 = vector.load %arg7[%get3A_25, %get3A_26] : memref<1x128xf32, #tpu.memory_space<vmem>>, vector<1x128xf32>
    %reduce_sum3A = arith.constant dense<0.000000e+00> : vector<128xf32>
    %reduce_sum3A_28 = vector.multi_reduction <add>, %max3A_24, %reduce_sum3A [0] : vector<2000x128xf32> to vector<128xf32>
    %broadcast_in_dim3A = vector.shape_cast %reduce_sum3A_28 : vector<128xf32> to vector<1x128xf32>
    %add3A_29 = arith.addf %get3A_27, %broadcast_in_dim3A : vector<1x128xf32>
    %swap3A = arith.constant 0 : index
    %swap3A_30 = arith.constant 0 : index
    %swap3A_31 = vector.load %arg7[%swap3A, %swap3A_30] : memref<1x128xf32, #tpu.memory_space<vmem>>, vector<1x128xf32>
    tpu.vector_store %arg7[%swap3A, %swap3A_30], %add3A_29 {strides = array<i32>} : memref<1x128xf32, #tpu.memory_space<vmem>>, vector<1x128xf32>,
    %eq3A_32 = arith.constant 4 : i32
    %eq3A_33 = arith.cmpi eq, %arg0, %eq3A_32 : i32
    %convert_element_type3A_34 = arith.extui %eq3A_33 : i1 to i32
    %cond3A_35 = arith.constant 0 : i32
    %cond3A_36 = arith.cmpi ne, %convert_element_type3A_34, %cond3A_35 : i32
    scf.if %cond3A_36 {
      %get3A_37 = arith.constant 0 : index
      %get3A_38 = arith.constant 0 : index
      %get3A_39 = vector.load %arg7[%get3A_37, %get3A_38] : memref<1x128xf32, #tpu.memory_space<vmem>>, vector<1x128xf32>
      %reduce_max3A = vector.shape_cast %get3A_39 : vector<1x128xf32> to vector<1x1x128xf32>
      %reduce_max3A_40 = arith.constant dense<0xFF800000> : vector<1xf32>
      %reduce_max3A_41 = vector.multi_reduction <maximumf>, %reduce_max3A, %reduce_max3A_40 [1, 2] : vector<1x1x128xf32> to vector<1xf32>
      %reduce_max3A_42 = vector.shape_cast %reduce_max3A_41 : vector<1xf32> to vector<1x1x1xf32>
      %reduce_max3A_43 = vector.extract %reduce_max3A_42[0, 0, 0] : f32 from vector<1x1x1xf32>
      %sub3A = vector.broadcast %reduce_max3A_43 : f32 to vector<1x128xf32>
      %sub3A_44 = arith.subf %get3A_39, %sub3A : vector<1x128xf32>
      %exp3A = math.exp %sub3A_44 : vector<1x128xf32>
      %reduce_sum3A_45 = vector.shape_cast %exp3A : vector<1x128xf32> to vector<1x1x128xf32>
      %reduce_sum3A_46 = arith.constant dense<0.000000e+00> : vector<1xf32>
      %reduce_sum3A_47 = vector.multi_reduction <add>, %reduce_sum3A_45, %reduce_sum3A_46 [1, 2] : vector<1x1x128xf32> to vector<1xf32>
      %reduce_sum3A_48 = vector.shape_cast %reduce_sum3A_47 : vector<1xf32> to vector<1x1x1xf32>
      %reduce_sum3A_49 = vector.extract %reduce_sum3A_48[0, 0, 0] : f32 from vector<1x1x1xf32>
      %div3A = vector.broadcast %reduce_sum3A_49 : f32 to vector<1x128xf32>
      %div3A_50 = arith.divf %exp3A, %div3A : vector<1x128xf32>
      %swap3A_51 = arith.constant 0 : index
      %swap3A_52 = arith.constant 0 : index
      %swap3A_53 = vector.load %arg6[%swap3A_51, %swap3A_52] : memref<1x128xf32, #tpu.memory_space<vmem>>, vector<1x128xf32>
      tpu.vector_store %arg6[%swap3A_51, %swap3A_52], %div3A_50 {strides = array<i32>} : memref<1x128xf32, #tpu.memory_space<vmem>>, vector<1x128xf32>,
    } else {
    }
    return
  }
  func.func @transform_0(%arg0: i32) -> (i32, i32) {
    %c0_i32 = arith.constant 0 : i32
    %c0_i32_0 = arith.constant 0 : i32
    return %arg0, %c0_i32 : i32, i32
  }
  func.func @transform_1(%arg0: i32) -> (i32, i32) {
    %c0_i32 = arith.constant 0 : i32
    %c0_i32_0 = arith.constant 0 : i32
    return %arg0, %c0_i32 : i32, i32
  }
  func.func @transform_2(%arg0: i32) -> (i32, i32) {
    %c0_i32 = arith.constant 0 : i32
    %c0_i32_0 = arith.constant 0 : i32
    return %arg0, %c0_i32 : i32, i32
  }
  func.func @transform_3(%arg0: i32) -> (i32, i32) {
    %c0_i32 = arith.constant 0 : i32
    %c0_i32_0 = arith.constant 0 : i32
    %c0_i32_1 = arith.constant 0 : i32
    return %c0_i32, %c0_i32_0 : i32, i32
  }
  func.func @transform_4(%arg0: i32) -> (i32, i32) {
    %c0_i32 = arith.constant 0 : i32
    %c0_i32_0 = arith.constant 0 : i32
    %c0_i32_1 = arith.constant 0 : i32
    return %c0_i32, %c0_i32_0 : i32, i32
  }
  func.func @transform_5(%arg0: i32) -> (i32, i32) {
    %c0_i32 = arith.constant 0 : i32
    %c0_i32_0 = arith.constant 0 : i32
    %c0_i32_1 = arith.constant 0 : i32
    return %c0_i32, %c0_i32_0 : i32, i32
  }
}

</mosaic_0001>

<sc_bundles>
// kernel: kernel.4.cloned.1.call-start
scs
__scs_entry_jumppad:
0x0: {  	(pc) =	sbr.rel $0x88, $3  }
0x1: {  	(tag) =	ssettag $0x0;
	lr =	simm.s32 $0x1  }
0x2: {  	[smem:$0x3F9C] =	sst lr;
	_ =	strace $0xD0000000  }
0x3: {  	_ = 	snop  }
0x4: {  	_ = 	snop  }
0x5: {  	_ = 	snop  }
0x6: {  	_ = 	snop  }
0x7: {  	_ = 	snop  }
__scs_overlays_trampoline_lowered:
0x8: {  	[smem:$0x3FAB] =	sst s0  }
0x9: {  	[smem:$0x3FAC] =	sst s1  }
0xa: {  	[smem:$0x3FAD] =	sst s2  }
0xb: {  	[smem:$0x3FAE] =	sst s3  }
0xc: {  	[smem:$0x3FAF] =	sst s4  }
0xd: {  	[smem:$0x3FB0] =	sst s5  }
0xe: {  	[smem:$0x3FB1] =	sst s6  }
0xf: {  	[smem:$0x3FB2] =	sst s7  }
0x10: {  	[smem:$0x3FB3] =	sst s8  }
0x11: {  	[smem:$0x3FB4] =	sst s9;
	s0 =	simm.s32 @!p0 $0x0  }
0x12: {  	s1 =	sld [smem:$0x3F9A];
	s0 =	simm.s32 @p0 $0x1  }
0x13: {  	[smem:$0x3FB5] =	sst s0;
	s0 =	simm.s32 @!p1 $0x0  }
0x14: {  	s2 =	sld [smem:$0x3F99];
	s0 =	simm.s32 @p1 $0x1  }
0x15: {  	[smem:$0x3FB6] =	sst s0;
	s0 =	simm.s32 @!p2 $0x0  }
0x16: {  	s3 =	sld [smem:$0x3FDB];
	s0 =	simm.s32 @p2 $0x1  }
0x17: {  	s4 =	simm.s32 $0x1BF5;
	[smem:$0x3FB8] =	sst s0  }
0x18: {  	s0 =	sld [smem:$0x3F9B];
	_ =	swait.ge [sflag:s4], $0x0  }
0x19: {  	s7 =	sld [smem:$0x3F9C]  }
0x1a: {  	s8 =	sadd.s32 $0xFFFFE003, lr  }
0x1b: {  	s9 =	sadd.s32 $0xFFFFFEF7, lr;
	s5 =	simm.s32 $0xFFFFFFFF;
	p2 =	slt.u32 s8, $0xFFFFF086  }
0x1c: {  	p1 =	slt.u32 s9, $0xF7A;
	s5 =	simm.s32 @!p2 $0x0  }
0x1d: {  	s5 =	simm.s32 @p1 $0x1;
	p0 =	seq.s32 s7, s2  }
0x1e: {  	s7 =	smul.u32 @!p0 $0xF7A, s2;
	p2 =	seq.s32 @!p0 s5, $0x0  }
0x1f: {  	s9 =	smul.u32 $0xF7A, s1;
	s8 =	simm.s32 @!p0 $0x1BF5;
	p2 =	por !p2, p0  }
0x20: {  	[sflag:s8] =	ssyncset.s32 @!p0 $0xFFFFF086;
	s6 =	sadd.s32 @!p0 s3, s7;
	s7 =	simm.s32 @!p0 $0x108  }
0x21: {  	s3 =	sadd.s32 s3, s9;
	s6 =	sadd.s32 @!p0 $0x88, s6;
	s7 =	simm.s32 @p2 $0x1082  }
0x22: {  	[simem:s7], [sflag:s8] =	dma.local @!p0 [hbm:s6], $0xF7A  }
0x23: {  	s9 =	sor.u32 $0xD0000000, s2;
	s6 =	simm.s32 $0x108;
	_ =	swait.ge @!p0 [sflag:s8], $0x0  }
0x24: {  	s3 =	sadd.s32 $0x88, s3;
	s6 =	simm.s32 @!p1 $0x1082;
	[sflag:s4] =	ssyncset.s32 $0xFFFFF086  }
0x25: {  	[simem:s6], [sflag:s4] =	dma.local [hbm:s3], $0xF7A  }
0x26: {  	[smem:$0x3F9C] =	sst s1;
	(tag) =	ssettag s2;
	_ =	strace s9  }
0x27: {  	s1 =	sld [smem:$0x3FAC]  }
0x28: {  	s2 =	sld [smem:$0x3FAD]  }
0x29: {  	s4 =	sld [smem:$0x3FAF]  }
0x2a: {  	p0 =	seq.s32 s5, $0x0;
	s5 =	sld [smem:$0x3FB0]  }
0x2b: {  	s6 =	sld [smem:$0x3FB1]  }
0x2c: {  	s7 =	sld [smem:$0x3FB2]  }
0x2d: {  	s3 =	simm.s32 $0x108;
	s8 =	sld [smem:$0x3FB3]  }
0x2e: {  	s3 =	simm.s32 @!p0 $0x1082;
	s9 =	sld [smem:$0x3FB4]  }
0x2f: {  	lr =	sadd.s32 s0, s3;
	s0 =	sld [smem:$0x3FAB]  }
0x30: {  	s3 =	sld [smem:$0x3FAE]  }
0x31: {  	[smem:$0x3FB7] =	sst s10  }
0x32: {  	s10 =	sld [smem:$0x3FB5];
	_ =	sdelay $0x3  }
0x33: {  	p0 =	seq.s32 s10, $0x1;
	s10 =	sld [smem:$0x3FB7];
	_ =	sdelay $0x3  }
0x34: {  	[smem:$0x3FB7] =	sst s10  }
0x35: {  	s10 =	sld [smem:$0x3FB6];
	_ =	sdelay $0x3  }
0x36: {  	p1 =	seq.s32 s10, $0x1;
	s10 =	sld [smem:$0x3FB7];
	_ =	sdelay $0x3  }
0x37: {  	[smem:$0x3FB7] =	sst s10  }
0x38: {  	s10 =	sld [smem:$0x3FB8]  }
0x39: {  	_ = 	snop;
	(pc) =	sbr.ind lr, $3  }
0x3a: {  	_ = 	snop  }
0x3b: {  	_ = 	snop  }
0x3c: {  	p2 =	seq.s32 s10, $0x1;
	s10 =	sld [smem:$0x3FB7]  }
0x3d: {  	_ =	shalt  }
0x3e: {  	_ =	shalt  }
0x3f: {  	_ =	shalt  }
0x40: {  	_ =	shalt  }
0x41: {  	_ =	shalt  }
0x42: {  	_ =	shalt  }
0x43: {  	_ =	shalt  }
0x44: {  	_ =	shalt  }
0x45: {  	_ =	shalt  }
0x46: {  	_ =	shalt  }
0x47: {  	_ =	shalt  }
0x48: {  	_ =	shalt  }
0x49: {  	_ =	shalt  }
0x4a: {  	_ =	shalt  }
0x4b: {  	_ =	shalt  }
0x4c: {  	_ =	shalt  }
0x4d: {  	_ =	shalt  }
0x4e: {  	_ =	shalt  }
0x4f: {  	_ =	shalt  }
0x50: {  	_ =	shalt  }
0x51: {  	_ =	shalt  }
0x52: {  	_ =	shalt  }
0x53: {  	_ =	shalt  }
0x54: {  	_ =	shalt  }
0x55: {  	_ =	shalt  }
0x56: {  	_ =	shalt  }
0x57: {  	_ =	shalt  }
0x58: {  	_ =	shalt  }
0x59: {  	_ =	shalt  }
0x5a: {  	_ =	shalt  }
0x5b: {  	_ =	shalt  }
0x5c: {  	_ =	shalt  }
0x5d: {  	_ =	shalt  }
0x5e: {  	_ =	shalt  }
0x5f: {  	_ =	shalt  }
0x60: {  	_ =	shalt  }
0x61: {  	_ =	shalt  }
0x62: {  	_ =	shalt  }
0x63: {  	_ =	shalt  }
0x64: {  	_ =	shalt  }
0x65: {  	_ =	shalt  }
0x66: {  	_ =	shalt  }
0x67: {  	_ =	shalt  }
0x68: {  	_ =	shalt  }
0x69: {  	_ =	shalt  }
0x6a: {  	_ =	shalt  }
0x6b: {  	_ =	shalt  }
0x6c: {  	_ =	shalt  }
0x6d: {  	_ =	shalt  }
0x6e: {  	_ =	shalt  }
0x6f: {  	_ =	shalt  }
0x70: {  	_ =	shalt  }
0x71: {  	_ =	shalt  }
0x72: {  	_ =	shalt  }
0x73: {  	_ =	shalt  }
0x74: {  	_ =	shalt  }
0x75: {  	_ =	shalt  }
0x76: {  	_ =	shalt  }
0x77: {  	_ =	shalt  }
0x78: {  	_ =	shalt  }
0x79: {  	_ =	shalt  }
0x7a: {  	_ =	shalt  }
0x7b: {  	_ =	shalt  }
0x7c: {  	_ =	shalt  }
0x7d: {  	_ =	shalt  }
0x7e: {  	_ =	shalt  }
0x7f: {  	_ =	shalt  }
0x80: {  	_ =	shalt  }
0x81: {  	_ =	shalt  }
0x82: {  	_ =	shalt  }
0x83: {  	_ =	shalt  }
0x84: {  	_ =	shalt  }
0x85: {  	_ =	shalt  }
0x86: {  	_ =	shalt  }
0x87: {  	_ =	shalt  }
.Lfunc_end0:
.L_simem_size_0:
called_computation_lowered:
.L_overlay_start_0:
0x88: {  	s2 =	sld [smem:$0x3FD9]  }
0x89: {  	s3 =	sld [smem:$0x3FFE];
	_ =	sdelay $0x1  }
0x8a: {  	s1 =	srdreg.scid  }
0x8b: {  	s0 =	sand.u32 $0x1, s1  }
0x8c: {  	s16 =	sshll.u32 s0, $0xA;
	s2 =	sadd.s32 s3, s2  }
0x8d: {  	s2 =	sadd.s32 s2, s16  }
0x8e: {  	[smem:$0x3FC3] =	sst s2  }
0x8f: {  	_ = 	snop  }
0x90: {  	(tm) =	ssettm $0x1  }
0x91: {  	s17 =	sld [smem:$0x3FFB];
	_ =	sdelay $0x3  }
0x92: {  	_ =	strace s17  }
0x93: {  	s2 =	sld [smem:$0x3FFC];
	_ =	sdelay $0x3  }
0x94: {  	_ =	strace s2  }
0x95: {  	s2 =	sld [smem:$0x3FFD];
	_ =	sdelay $0x3  }
0x96: {  	_ =	strace s2  }
0x97: {  	_ =	strace $0x8FFFFFFF  }
0x98: {  	s18 =	sld [smem:$0x3FDB];
	_ =	sdelay $0x1  }
0x99: {  	s19 =	simm.s32 $_scs_section_size  }
0x9a: {  	s4 =	simm.s32 $_size__tile_overlayer_lowered;
	s5 =	simm.s32 $_tile_overlayer_lowered  }
0x9b: {  	s22 =	simm.s32 $0x1BFF;
	s21 =	sshll.u32 s5, $0x1;
	s2 =	sadd.s32 s19, s18  }
0x9c: {  	s6 =	simm.s32 $0x0;
	s20 =	sshll.u32 s4, $0x1;
	s4 =	sadd.s32 s21, s2  }
0x9d: {  	[timem:s6], [sflag:s22] =	dma.local [hbm:s4], s20  }
0x9e: {  	_ =	swait.ge [sflag:s22], s20  }
0x9f: {  	s3 =	ssub.s32 $0x0, s20;
	[sflag:s22] =	ssyncset.done $0x0  }
0xa0: {  	[sflag:s22] =	ssyncadd.s32 s3;
	_ =	sdelay $0x1  }
0xa1: {  	s23 =	simm.s32 $0x1B8B  }
0xa2: {  	_ =	swait.ge [sflag:s23], $0x1  }
0xa3: {  	[sflag:s23] =	ssyncset.done $0x0  }
0xa4: {  	s25 =	simm.s32 $0x1B8E;
	s24 =	sld [smem:$0x3FFE];
	[sflag:s23] =	ssyncadd.s32 $0xFFFFFFFF  }
0xa5: {  	s26 =	simm.s32 $execute0_lowered;
	[smem:$0x3FD2] =	sst s25  }
0xa6: {  	s4 =	sshll.u32 s26, $0x1;
	_ =	strace $0x80000046;
	[dreg:$0x1] =	wrdreg $0xFFFFFFFF  }
0xa7: {  	s28 =	simm.s32 $_size_execute0_lowered;
	s2 =	sadd.s32 s2, s4;
	[dreg:$0x0] =	wrdreg $0x0  }
0xa8: {  	s4 =	sshll.u32 s28, $0x1;
	[dreg:$0x2] =	wrdreg s2  }
0xa9: {  	[dreg:$0x3] =	wrdreg s4  }
0xaa: {  	[dreg:$0x4] =	wrdreg $0xC0  }
0xab: {  	_ =	task [dreg:s6], $0x5FFFF  }
0xac: {  	[dreg:$0x1] =	wrdreg $0xFFFFFFFF  }
0xad: {  	[dreg:$0x0] =	wrdreg $0x60  }
0xae: {  	[dreg:$0x2] =	wrdreg s24  }
0xaf: {  	[dreg:$0x3] =	wrdreg $0x71000  }
0xb0: {  	[dreg:$0x4] =	wrdreg $0x9  }
0xb1: {  	_ =	task.clear_ibuf [dreg:s6], $0x5FFFF;
	_ =	strace $0x90000046  }
0xb2: {  	s29 =	simm.s32 $0x9;
	_ =	strace $0x80000048  }
0xb3: {  	_ =	swait.ge [sflag:s29], $0x1  }
0xb4: {  	[sflag:s29] =	ssyncadd.s32 $0xFFFFFFFF  }
0xb5: {  	_ =	strace $0x90000048  }
0xb6: {  	_ =	sfence  }
0xb7: {  	s30 =	sld [smem:$0x0];
	_ =	sdelay $0x2  }
0xb8: {  	s31 =	sshll.u32 s1, $0xD;
	s1 =	sshrl.u32 s1, $0x2  }
0xb9: {  	s3 =	sand.u32 $0x4000, s31;
	s1 =	sadd.s32 s1, s30  }
0xba: {  	s0 =	sor.u32 s3, s0;
	s1 =	sshll.u32 s1, $0x11  }
0xbb: {  	s0 =	sor.u32 s1, s0  }
0xbc: {  	s0 =	sadd.s32 $0x8F2B, s0  }
0xbd: {  	[sflag:s0] =	ssyncadd.remote.s32 $0x1  }
0xbe: {  	_ =	sfence.sel $0xFFFF  }
0xbf: {  	[dreg:$0x0] =	wrdreg $0xFFFFFFFF;
	(pc) =	sbr.abs _section_cstart, $3  }
0xc0: {  	[dreg:$0x1] =	wrdreg $0xFFFFFFFF  }
0xc1: {  	_ =	task.clear_ibuf [dreg:s6], $0x2FFFF;
	_ =	strace $0x9FFFFFFF  }
0xc2: {  	(tm) =	ssettm $0x7FFFFFFF  }
0xc3: {  	_ =	shalt  }
tec
execute0_lowered:
.L_overlay_start_1:
0x0: {  	(tag) =	ssettag $0x1  }
0x1: {  	s1 =	srdreg.scid;
	s18 =	stileid.u32  }
0x2: {  	s0 =	rddreg [dreg:$0x0];
	s2 =	sand.u32 $0x1, s1;
	s4 =	smul.u32 $0x2710, s18  }
0x3: {  	s1 =	simm.s32 $0x0;
	s7 =	sadd.s32 $0x63000, s0;
	s29 =	smul.u32 $0x280, s18  }
0x4: {  	s8 =	sadd.s32 $0xB3A00, s0;
	s3 =	smul.u32 $0x27100, s2;
	s5 =	sshll.u32 s2, $0x4  }
0x5: {  	[smem:$0x7FF] =	sst s1;
	s6 =	smul.u32 $0x28000, s2;
	s2 =	ssub.s32 $0x2, s2  }
0x6: {  	s5 =	sor.u32 s18, s5;
	s9 =	sshrl.u32 s2, $0x1;
	s12 =	sadd.s32 $0xF0, s29  }
0x7: {  	s15 =	sadd.s32 $0x190, s29;
	s16 =	sadd.s32 $0x1E0, s29;
	s17 =	smul.u32 $0x140, s5  }
0x8: {  	s3 =	sadd.s32 s4, s3;
	s6 =	sadd.s32 s6, s0;
	s5 =	smul.u32 $0x1400, s5  }
0x9: {  	s2 =	ssub.s32 s2, s9;
	s13 =	sshll.u32 s12, $0x4;
	s3 =	sshrl.u32 s3, $0x3  }
0xa: {  	s10 =	sshrl.u32 s17, $0x3;
	s20 =	sadd.s32 $0x50, s17;
	s5 =	sadd.s32 s8, s5  }
0xb: {  	s22 =	sadd.s32 $0xA0, s17;
	s4 =	sadd.s32 $0xF0, s17;
	s17 =	smul.u32 $0x2800, s18  }
0xc: {  	s3 =	sadd.s32 s3, s0;
	s19 =	sadd.s32 s7, s10;
	[dreg:$0x4] =	wrdreg s5  }
0xd: {  	s21 =	sshrl.u32 s20, $0x3;
	s23 =	sshll.u32 s20, $0x4;
	s24 =	sshrl.u32 s22, $0x3  }
0xe: {  	s26 =	sshll.u32 s22, $0x4;
	s28 =	sshrl.u32 s4, $0x3;
	s4 =	sshll.u32 s4, $0x4  }
0xf: {  	s22 =	sadd.s32 $0xA0, s29;
	s10 =	sadd.s32 $0x230, s29;
	s20 =	sadd.s32 $0x28200, s0  }
0x10: {  	[dreg:$0x3] =	wrdreg s19;
	s5 =	sadd.s32 s7, s21;
	s25 =	sadd.s32 s7, s24  }
0x11: {  	s30 =	sadd.s32 s7, s28;
	s4 =	sadd.s32 s8, s4;
	[dreg:$0x5] =	wrdreg s5  }
0x12: {  	s7 =	sadd.s32 $0x140, s29;
	s19 =	sor.u32 $0x50, s29;
	[dreg:$0x7] =	wrdreg s25  }
0x13: {  	s11 =	sshll.u32 s22, $0x4;
	s28 =	sshll.u32 s15, $0x4;
	[dreg:$0x9] =	wrdreg s30  }
0x14: {  	s21 =	sadd.s32 $0x1000, s0;
	s5 =	sadd.s32 s8, s23;
	[dreg:$0xa] =	wrdreg s4  }
0x15: {  	s0 =	sadd.s32 $0x63600, s0;
	[dreg:$0x6] =	wrdreg s5;
	s5 =	sadd.s32 s8, s26  }
0x16: {  	s22 =	sshll.u32 s22, $0x7;
	s8 =	sadd.s32 $0x63A00, s6;
	[dreg:$0x8] =	wrdreg s5  }
0x17: {  	s24 =	sshll.u32 s19, $0x4;
	s6 =	sadd.s32 s17, s8;
	s17 =	rddreg [dreg:$0x1]  }
0x18: {  	s14 =	sshll.u32 s7, $0x4;
	s25 =	sadd.s32 s24, s8;
	[dreg:$0xb] =	wrdreg s6  }
0x19: {  	s4 =	sshll.u32 s7, $0x7;
	s26 =	sadd.s32 s11, s8;
	[dreg:$0xc] =	wrdreg s25  }
0x1a: {  	s19 =	sshll.u32 s19, $0x7;
	s29 =	sadd.s32 s13, s8;
	[dreg:$0xd] =	wrdreg s26  }
0x1b: {  	s30 =	sadd.s32 s14, s8;
	s11 =	sshll.u32 s16, $0x4;
	[dreg:$0xe] =	wrdreg s29  }
0x1c: {  	s13 =	sshll.u32 s10, $0x4;
	s14 =	smul.u32 $0x50000, s18;
	[dreg:$0xf] =	wrdreg s30  }
0x1d: {  	s6 =	sadd.s32 s28, s8;
	s5 =	sadd.s32 s13, s8;
	s24 =	sadd.s32 s4, s17  }
0x1e: {  	s25 =	sshll.u32 s12, $0x7;
	s28 =	sshll.u32 s15, $0x7;
	s29 =	sshll.u32 s16, $0x7  }
0x1f: {  	s30 =	sshll.u32 s10, $0x7;
	s15 =	smax.u32 s2, $0x1;
	s2 =	sadd.s32 $0x59200, s3  }
0x20: {  	s12 =	simm.s32 $0x50;
	s13 =	simm.s32 $0x100;
	[dreg:$0x10] =	wrdreg s6  }
0x21: {  	s16 =	simm.s32 $0x5100;
	s6 =	sadd.s32 s11, s8;
	[dreg:$0x12] =	wrdreg s5  }
0x22: {  	s18 =	sshrl.u32 s14, $0x2;
	s26 =	sadd.s32 s25, s17;
	s31 =	sadd.s32 s30, s17  }
0x23: {  	s11 =	simm.s32 $0x2;
	s14 =	simm.s32 $0x1;
	[dreg:$0x11] =	wrdreg s6  }
0x24: {  	s23 =	sadd.s32 s18, s17;
	_ =	strace $0x80000047;
	[dreg:$0x13] =	wrdreg s0  }
0x25: {  	s18 =	simm.s32 $0x2900;
	s0 =	sadd.s32 s19, s17;
	[dreg:$0x16] =	wrdreg s26  }
0x26: {  	s4 =	sadd.s32 $0x4000, s23;
	s5 =	sadd.s32 $0x6000, s23;
	s6 =	sadd.s32 $0x8000, s23  }
0x27: {  	s7 =	sadd.s32 $0xC000, s23;
	s8 =	sadd.s32 $0xE000, s23;
	s9 =	sadd.s32 $0x10000, s23  }
0x28: {  	s10 =	sadd.s32 $0x12000, s23;
	[dreg:$0x14] =	wrdreg s0;
	s0 =	sadd.s32 s22, s17  }
0x29: {  	s19 =	simm.s32 $0x80;
	[dreg:$0x15] =	wrdreg s0;
	s0 =	sadd.s32 s28, s17  }
0x2a: {  	s22 =	simm.s32 $0x0;
	[dreg:$0x17] =	wrdreg s0;
	s0 =	sadd.s32 s29, s17  }
0x2b: {  	[dreg:$0x18] =	wrdreg s0;
	s0 =	sadd.s32 $0x4F400, s3;
	s3 =	sadd.s32 $0x2000, s23  }
.LBB2_1:
0x2c: {  	s25 =	rddreg [dreg:$0x3]  }
0x2d: {  	[tilespmem:s1], [sflag:$0x2] =	stream.linear.gather [hbm4b:s25+s1], $0x50, $0x38;
	[tilespmem:$0x1B100] =	vst v63  }
0x2e: {  	_ =	swait.ge [sflag:s11], $0x50  }
0x2f: {  	[sflag:s11] =	ssyncset.done $0x0  }
0x30: {  	[sflag:s11] =	ssyncadd.s32 $0xFFFFFFB0  }
0x31: {  	[tilespmem:s13], [sflag:$0x1] =	stream.indirect.gather [hbm4b:s20+s12], $0x80, s1, s12, $0xb8;
	[tilespmem:$0x1B100] =	vst v63  }
0x32: {  	_ =	swait.ge [sflag:s14], $0x2800  }
0x33: {  	[sflag:s14] =	ssyncset.done $0x0  }
0x34: {  	s29 =	rddreg [dreg:$0x4];
	[sflag:s14] =	ssyncadd.s32 $0xFFFFD800  }
0x35: {  	[hbm4b:s29+s1] =	stream.linear.scatter [tilespmem:s13], [sflag:$0x2], $0x2800, $0x38;
	[tilespmem:$0x1B100] =	vst v63  }
0x36: {  	_ =	swait.ge [sflag:s11], $0x2800  }
0x37: {  	[sflag:s11] =	ssyncset.done $0x0  }
0x38: {  	s30 =	rddreg [dreg:$0x5];
	[sflag:s11] =	ssyncadd.s32 $0xFFFFD800  }
0x39: {  	[tilespmem:s1], [sflag:$0x2] =	stream.linear.gather [hbm4b:s30+s1], $0x50, $0x38;
	[tilespmem:$0x1B100] =	vst v63  }
0x3a: {  	_ =	swait.ge [sflag:s11], $0x50  }
0x3b: {  	[sflag:s11] =	ssyncset.done $0x0  }
0x3c: {  	[sflag:s11] =	ssyncadd.s32 $0xFFFFFFB0  }
0x3d: {  	[tilespmem:s13], [sflag:$0x1] =	stream.indirect.gather [hbm4b:s20+s12], $0x80, s1, s12, $0xb8;
	[tilespmem:$0x1B100] =	vst v63  }
0x3e: {  	_ =	swait.ge [sflag:s14], $0x2800  }
0x3f: {  	[sflag:s14] =	ssyncset.done $0x0  }
0x40: {  	s26 =	rddreg [dreg:$0x6];
	[sflag:s14] =	ssyncadd.s32 $0xFFFFD800  }
0x41: {  	[hbm4b:s26+s1] =	stream.linear.scatter [tilespmem:s13], [sflag:$0x2], $0x2800, $0x38;
	[tilespmem:$0x1B100] =	vst v63  }
0x42: {  	_ =	swait.ge [sflag:s11], $0x2800  }
0x43: {  	[sflag:s11] =	ssyncset.done $0x0  }
0x44: {  	s28 =	rddreg [dreg:$0x7];
	[sflag:s11] =	ssyncadd.s32 $0xFFFFD800  }
0x45: {  	[tilespmem:s1], [sflag:$0x2] =	stream.linear.gather [hbm4b:s28+s1], $0x50, $0x38;
	[tilespmem:$0x1B100] =	vst v63  }
0x46: {  	_ =	swait.ge [sflag:s11], $0x50  }
0x47: {  	[sflag:s11] =	ssyncset.done $0x0  }
0x48: {  	[sflag:s11] =	ssyncadd.s32 $0xFFFFFFB0  }
0x49: {  	[tilespmem:s13], [sflag:$0x1] =	stream.indirect.gather [hbm4b:s20+s12], $0x80, s1, s12, $0xb8;
	[tilespmem:$0x1B100] =	vst v63  }
0x4a: {  	_ =	swait.ge [sflag:s14], $0x2800  }
0x4b: {  	[sflag:s14] =	ssyncset.done $0x0  }
0x4c: {  	s29 =	rddreg [dreg:$0x8];
	[sflag:s14] =	ssyncadd.s32 $0xFFFFD800  }
0x4d: {  	[hbm4b:s29+s1] =	stream.linear.scatter [tilespmem:s13], [sflag:$0x2], $0x2800, $0x38;
	[tilespmem:$0x1B100] =	vst v63  }
0x4e: {  	_ =	swait.ge [sflag:s11], $0x2800  }
0x4f: {  	[sflag:s11] =	ssyncset.done $0x0  }
0x50: {  	s30 =	rddreg [dreg:$0x9];
	[sflag:s11] =	ssyncadd.s32 $0xFFFFD800  }
0x51: {  	[tilespmem:s1], [sflag:$0x2] =	stream.linear.gather [hbm4b:s30+s1], $0x50, $0x38;
	[tilespmem:$0x1B100] =	vst v63  }
0x52: {  	_ =	swait.ge [sflag:s11], $0x50  }
0x53: {  	[sflag:s11] =	ssyncset.done $0x0  }
0x54: {  	[sflag:s11] =	ssyncadd.s32 $0xFFFFFFB0  }
0x55: {  	[tilespmem:s13], [sflag:$0x1] =	stream.indirect.gather [hbm4b:s20+s12], $0x80, s1, s12, $0xb8;
	[tilespmem:$0x1B100] =	vst v63  }
0x56: {  	_ =	swait.ge [sflag:s14], $0x2800  }
0x57: {  	[sflag:s14] =	ssyncset.done $0x0  }
0x58: {  	s26 =	rddreg [dreg:$0xa];
	[sflag:s14] =	ssyncadd.s32 $0xFFFFD800  }
0x59: {  	[hbm4b:s26+s1] =	stream.linear.scatter [tilespmem:s13], [sflag:$0x2], $0x2800, $0x38;
	[tilespmem:$0x1B100] =	vst v63  }
0x5a: {  	_ =	swait.ge [sflag:s11], $0x2800  }
0x5b: {  	[sflag:s11] =	ssyncset.done $0x0  }
0x5c: {  	s28 =	rddreg [dreg:$0x13];
	[sflag:s11] =	ssyncadd.s32 $0xFFFFD800  }
0x5d: {  	[tilespmem:s16], [sflag:$0x2] =	stream.linear.gather [hbm4b:s28+s1], $0x2000, $0x38;
	[tilespmem:$0x1B100] =	vst v63  }
0x5e: {  	_ =	swait.ge [sflag:s11], $0x2000  }
0x5f: {  	[sflag:s11] =	ssyncset.done $0x0  }
0x60: {  	[sflag:s11] =	ssyncadd.s32 $0xFFFFE000  }
0x61: {  	[spmem:s23] =	stream.linear.scatter [tilespmem:s16], [sflag:$0x2], $0x2000, $0x38;
	[tilespmem:$0x1B100] =	vst v63  }
0x62: {  	_ =	swait.ge [sflag:s11], $0x2000  }
0x63: {  	[sflag:s11] =	ssyncset.done $0x0  }
0x64: {  	[sflag:s11] =	ssyncadd.s32 $0xFFFFE000  }
0x65: {  	[spmem:s3] =	stream.linear.scatter [tilespmem:s16], [sflag:$0x2], $0x2000, $0x38;
	[tilespmem:$0x1B100] =	vst v63  }
0x66: {  	_ =	swait.ge [sflag:s11], $0x2000  }
0x67: {  	[sflag:s11] =	ssyncset.done $0x0  }
0x68: {  	[sflag:s11] =	ssyncadd.s32 $0xFFFFE000  }
0x69: {  	[spmem:s4] =	stream.linear.scatter [tilespmem:s16], [sflag:$0x2], $0x2000, $0x38;
	[tilespmem:$0x1B100] =	vst v63  }
0x6a: {  	_ =	swait.ge [sflag:s11], $0x2000  }
0x6b: {  	[sflag:s11] =	ssyncset.done $0x0  }
0x6c: {  	[sflag:s11] =	ssyncadd.s32 $0xFFFFE000  }
0x6d: {  	[spmem:s5] =	stream.linear.scatter [tilespmem:s16], [sflag:$0x2], $0x2000, $0x38;
	[tilespmem:$0x1B100] =	vst v63  }
0x6e: {  	_ =	swait.ge [sflag:s11], $0x2000  }
0x6f: {  	[sflag:s11] =	ssyncset.done $0x0  }
0x70: {  	[sflag:s11] =	ssyncadd.s32 $0xFFFFE000  }
0x71: {  	[spmem:s6] =	stream.linear.scatter [tilespmem:s16], [sflag:$0x2], $0x2000, $0x38;
	[tilespmem:$0x1B100] =	vst v63  }
0x72: {  	_ =	swait.ge [sflag:s11], $0x2000  }
0x73: {  	[sflag:s11] =	ssyncset.done $0x0  }
0x74: {  	[sflag:s11] =	ssyncadd.s32 $0xFFFFE000  }
0x75: {  	[spmem:s24] =	stream.linear.scatter [tilespmem:s16], [sflag:$0x2], $0x2000, $0x38;
	[tilespmem:$0x1B100] =	vst v63  }
0x76: {  	_ =	swait.ge [sflag:s11], $0x2000  }
0x77: {  	[sflag:s11] =	ssyncset.done $0x0  }
0x78: {  	[sflag:s11] =	ssyncadd.s32 $0xFFFFE000  }
0x79: {  	[spmem:s7] =	stream.linear.scatter [tilespmem:s16], [sflag:$0x2], $0x2000, $0x38;
	[tilespmem:$0x1B100] =	vst v63  }
0x7a: {  	_ =	swait.ge [sflag:s11], $0x2000  }
0x7b: {  	[sflag:s11] =	ssyncset.done $0x0  }
0x7c: {  	[sflag:s11] =	ssyncadd.s32 $0xFFFFE000  }
0x7d: {  	[spmem:s8] =	stream.linear.scatter [tilespmem:s16], [sflag:$0x2], $0x2000, $0x38;
	[tilespmem:$0x1B100] =	vst v63  }
0x7e: {  	_ =	swait.ge [sflag:s11], $0x2000  }
0x7f: {  	[sflag:s11] =	ssyncset.done $0x0  }
0x80: {  	[sflag:s11] =	ssyncadd.s32 $0xFFFFE000  }
0x81: {  	[spmem:s9] =	stream.linear.scatter [tilespmem:s16], [sflag:$0x2], $0x2000, $0x38;
	[tilespmem:$0x1B100] =	vst v63  }
0x82: {  	_ =	swait.ge [sflag:s11], $0x2000  }
0x83: {  	[sflag:s11] =	ssyncset.done $0x0  }
0x84: {  	[sflag:s11] =	ssyncadd.s32 $0xFFFFE000  }
0x85: {  	[spmem:s10] =	stream.linear.scatter [tilespmem:s16], [sflag:$0x2], $0x2000, $0x38;
	[tilespmem:$0x1B100] =	vst v63  }
0x86: {  	_ =	swait.ge [sflag:s11], $0x2000  }
0x87: {  	[sflag:s11] =	ssyncset.done $0x0  }
0x88: {  	[sflag:s11] =	ssyncadd.s32 $0xFFFFE000  }
0x89: {  	s29 =	sadd.s32 $0x0, s2;
	[bflag:$0x0] =	sbarrier.arrive $0xFFFF  }
0x8a: {  	[tilespmem:s1], [sflag:$0x2] =	stream.linear.gather [hbm4b:s29+s1], $0x50, $0x38;
	[tilespmem:$0x1B100] =	vst v63  }
0x8b: {  	_ =	swait.ge [sflag:s11], $0x50  }
0x8c: {  	[sflag:s11] =	ssyncset.done $0x0  }
0x8d: {  	[sflag:s11] =	ssyncadd.s32 $0xFFFFFFB0  }
0x8e: {  	[tilespmem:s18], [sflag:$0x1] =	stream.indirect.gather [hbm4b:s21+s12], $0x80, s1, s12, $0xb8;
	[tilespmem:$0x1B100] =	vst v63  }
0x8f: {  	_ =	swait.ge [sflag:s14], $0x2800  }
0x90: {  	[sflag:s14] =	ssyncset.done $0x0  }
0x91: {  	s30 =	sadd.s32 $0x0, s0;
	[sflag:s14] =	ssyncadd.s32 $0xFFFFD800  }
0x92: {  	[tilespmem:s19], [sflag:$0x2] =	stream.linear.gather [hbm4b:s30+s1], $0x50, $0x38;
	[tilespmem:$0x1B100] =	vst v63  }
0x93: {  	_ =	swait.ge [sflag:s11], $0x50  }
0x94: {  	[sflag:s11] =	ssyncset.done $0x0  }
0x95: {  	[sflag:s11] =	ssyncadd.s32 $0xFFFFFFB0  }
0x96: {  	[spmem:s17] =	stream.indirect.scatter.add.s32 [tilespmem:s18], [sflag:$0x2], $0x80, s19, s12, $0xb8;
	[tilespmem:$0x1B100] =	vst v63  }
0x97: {  	_ =	swait.ge [sflag:s11], $0x2800  }
0x98: {  	s25 =	simm.s32 $0xA;
	s26 =	simm.s32 $0x14;
	[sflag:s11] =	ssyncset.done $0x0  }
.LBB2_2:
0x99: {  	s28 =	sadd.s32 s25, s2  }
0x9a: {  	[sflag:s11] =	ssyncadd.s32 $0xFFFFD800;
	s29 =	smov.u32 s26;
	s30 =	sadd.s32 $0xA, s26  }
0x9b: {  	[tilespmem:s1], [sflag:$0x2] =	stream.linear.gather [hbm4b:s28+s1], $0x50, $0x38;
	[tilespmem:$0x1B100] =	vst v63  }
0x9c: {  	p0 =	sne.s32 s26, $0x4D8;
	_ =	swait.ge [sflag:s11], $0x50  }
0x9d: {  	[sflag:s11] =	ssyncset.done $0x0  }
0x9e: {  	[sflag:s11] =	ssyncadd.s32 $0xFFFFFFB0  }
0x9f: {  	[tilespmem:s18], [sflag:$0x1] =	stream.indirect.gather [hbm4b:s21+s12], $0x80, s1, s12, $0xb8;
	[tilespmem:$0x1B100] =	vst v63  }
0xa0: {  	_ =	swait.ge [sflag:s14], $0x2800  }
0xa1: {  	[sflag:s14] =	ssyncset.done $0x0  }
0xa2: {  	s26 =	sadd.s32 s25, s0;
	s25 =	smov.u32 s29;
	[sflag:s14] =	ssyncadd.s32 $0xFFFFD800  }
0xa3: {  	[tilespmem:s19], [sflag:$0x2] =	stream.linear.gather [hbm4b:s26+s1], $0x50, $0x38;
	[tilespmem:$0x1B100] =	vst v63  }
0xa4: {  	_ =	swait.ge [sflag:s11], $0x50  }
.Ltmp0:
0xa5: {  	[sflag:s11] =	ssyncset.done $0x0;
	(pc) =	sbr.rel @p0 .LBB2_2-.Ltmp0, $4  }
0xa6: {  	[sflag:s11] =	ssyncadd.s32 $0xFFFFFFB0  }
0xa7: {  	[spmem:s17] =	stream.indirect.scatter.add.s32 [tilespmem:s18], [sflag:$0x2], $0x80, s19, s12, $0xb8;
	[tilespmem:$0x1B100] =	vst v63  }
0xa8: {  	_ =	swait.ge [sflag:s11], $0x2800  }
0xa9: {  	s26 =	smov.u32 s30;
	[sflag:s11] =	ssyncset.done $0x0  }
0xaa: {  	s26 =	sadd.s32 s25, s2;
	[sflag:s11] =	ssyncadd.s32 $0xFFFFD800  }
0xab: {  	[tilespmem:s1], [sflag:$0x2] =	stream.linear.gather [hbm4b:s26+s1], $0x50, $0x38;
	[tilespmem:$0x1B100] =	vst v63  }
0xac: {  	_ =	swait.ge [sflag:s11], $0x50  }
0xad: {  	[sflag:s11] =	ssyncset.done $0x0  }
0xae: {  	[sflag:s11] =	ssyncadd.s32 $0xFFFFFFB0  }
0xaf: {  	[tilespmem:s18], [sflag:$0x1] =	stream.indirect.gather [hbm4b:s21+s12], $0x80, s1, s12, $0xb8;
	[tilespmem:$0x1B100] =	vst v63  }
0xb0: {  	_ =	swait.ge [sflag:s14], $0x2800  }
0xb1: {  	[sflag:s14] =	ssyncset.done $0x0  }
0xb2: {  	s29 =	sadd.s32 s25, s0;
	[sflag:s14] =	ssyncadd.s32 $0xFFFFD800  }
0xb3: {  	[tilespmem:s19], [sflag:$0x2] =	stream.linear.gather [hbm4b:s29+s1], $0x50, $0x38;
	[tilespmem:$0x1B100] =	vst v63  }
0xb4: {  	_ =	swait.ge [sflag:s11], $0x50  }
0xb5: {  	[sflag:s11] =	ssyncset.done $0x0  }
0xb6: {  	[sflag:s11] =	ssyncadd.s32 $0xFFFFFFB0  }
0xb7: {  	[spmem:s17] =	stream.indirect.scatter.add.s32 [tilespmem:s18], [sflag:$0x2], $0x80, s19, s12, $0xb8;
	[tilespmem:$0x1B100] =	vst v63  }
0xb8: {  	_ =	swait.ge [sflag:s11], $0x2800  }
0xb9: {  	[sflag:s11] =	ssyncset.done $0x0  }
0xba: {  	[sflag:s11] =	ssyncadd.s32 $0xFFFFD800  }
0xbb: {  	[bflag:$0x0] =	sbarrier.arrive $0xFFFF  }
0xbc: {  	[tilespmem:s18], [sflag:$0x2] =	stream.linear.gather [spmem:s23], $0x2800, $0x38;
	[tilespmem:$0x1B100] =	vst v63  }
0xbd: {  	_ =	swait.ge [sflag:s11], $0x2800  }
0xbe: {  	[sflag:s11] =	ssyncset.done $0x0  }
0xbf: {  	s30 =	rddreg [dreg:$0xb];
	[sflag:s11] =	ssyncadd.s32 $0xFFFFD800  }
0xc0: {  	[hbm4b:s30+s1] =	stream.linear.scatter [tilespmem:s18], [sflag:$0x2], $0x2800, $0x38;
	[tilespmem:$0x1B100] =	vst v63  }
0xc1: {  	_ =	swait.ge [sflag:s11], $0x2800  }
0xc2: {  	[sflag:s11] =	ssyncset.done $0x0  }
0xc3: {  	s26 =	rddreg [dreg:$0x14];
	[sflag:s11] =	ssyncadd.s32 $0xFFFFD800  }
0xc4: {  	[tilespmem:s18], [sflag:$0x2] =	stream.linear.gather [spmem:s26], $0x2800, $0x38;
	[tilespmem:$0x1B100] =	vst v63  }
0xc5: {  	_ =	swait.ge [sflag:s11], $0x2800  }
0xc6: {  	[sflag:s11] =	ssyncset.done $0x0  }
0xc7: {  	s28 =	rddreg [dreg:$0xc];
	[sflag:s11] =	ssyncadd.s32 $0xFFFFD800  }
0xc8: {  	[hbm4b:s28+s1] =	stream.linear.scatter [tilespmem:s18], [sflag:$0x2], $0x2800, $0x38;
	[tilespmem:$0x1B100] =	vst v63  }
0xc9: {  	_ =	swait.ge [sflag:s11], $0x2800  }
0xca: {  	[sflag:s11] =	ssyncset.done $0x0  }
0xcb: {  	s29 =	rddreg [dreg:$0x15];
	[sflag:s11] =	ssyncadd.s32 $0xFFFFD800  }
0xcc: {  	[tilespmem:s18], [sflag:$0x2] =	stream.linear.gather [spmem:s29], $0x2800, $0x38;
	[tilespmem:$0x1B100] =	vst v63  }
0xcd: {  	_ =	swait.ge [sflag:s11], $0x2800  }
0xce: {  	[sflag:s11] =	ssyncset.done $0x0  }
0xcf: {  	s30 =	rddreg [dreg:$0xd];
	[sflag:s11] =	ssyncadd.s32 $0xFFFFD800  }
0xd0: {  	[hbm4b:s30+s1] =	stream.linear.scatter [tilespmem:s18], [sflag:$0x2], $0x2800, $0x38;
	[tilespmem:$0x1B100] =	vst v63  }
0xd1: {  	_ =	swait.ge [sflag:s11], $0x2800  }
0xd2: {  	[sflag:s11] =	ssyncset.done $0x0  }
0xd3: {  	s26 =	rddreg [dreg:$0x16];
	[sflag:s11] =	ssyncadd.s32 $0xFFFFD800  }
0xd4: {  	[tilespmem:s18], [sflag:$0x2] =	stream.linear.gather [spmem:s26], $0x2800, $0x38;
	[tilespmem:$0x1B100] =	vst v63  }
0xd5: {  	_ =	swait.ge [sflag:s11], $0x2800  }
0xd6: {  	[sflag:s11] =	ssyncset.done $0x0  }
0xd7: {  	s28 =	rddreg [dreg:$0xe];
	[sflag:s11] =	ssyncadd.s32 $0xFFFFD800  }
0xd8: {  	[hbm4b:s28+s1] =	stream.linear.scatter [tilespmem:s18], [sflag:$0x2], $0x2800, $0x38;
	[tilespmem:$0x1B100] =	vst v63  }
0xd9: {  	_ =	swait.ge [sflag:s11], $0x2800  }
0xda: {  	[sflag:s11] =	ssyncset.done $0x0  }
0xdb: {  	[sflag:s11] =	ssyncadd.s32 $0xFFFFD800  }
0xdc: {  	[tilespmem:s18], [sflag:$0x2] =	stream.linear.gather [spmem:s24], $0x2800, $0x38;
	[tilespmem:$0x1B100] =	vst v63  }
0xdd: {  	_ =	swait.ge [sflag:s11], $0x2800  }
0xde: {  	[sflag:s11] =	ssyncset.done $0x0  }
0xdf: {  	s29 =	rddreg [dreg:$0xf];
	[sflag:s11] =	ssyncadd.s32 $0xFFFFD800  }
0xe0: {  	[hbm4b:s29+s1] =	stream.linear.scatter [tilespmem:s18], [sflag:$0x2], $0x2800, $0x38;
	[tilespmem:$0x1B100] =	vst v63  }
0xe1: {  	_ =	swait.ge [sflag:s11], $0x2800  }
0xe2: {  	[sflag:s11] =	ssyncset.done $0x0  }
0xe3: {  	s30 =	rddreg [dreg:$0x17];
	[sflag:s11] =	ssyncadd.s32 $0xFFFFD800  }
0xe4: {  	[tilespmem:s18], [sflag:$0x2] =	stream.linear.gather [spmem:s30], $0x2800, $0x38;
	[tilespmem:$0x1B100] =	vst v63  }
0xe5: {  	_ =	swait.ge [sflag:s11], $0x2800  }
0xe6: {  	[sflag:s11] =	ssyncset.done $0x0  }
0xe7: {  	s26 =	rddreg [dreg:$0x10];
	[sflag:s11] =	ssyncadd.s32 $0xFFFFD800  }
0xe8: {  	[hbm4b:s26+s1] =	stream.linear.scatter [tilespmem:s18], [sflag:$0x2], $0x2800, $0x38;
	[tilespmem:$0x1B100] =	vst v63  }
0xe9: {  	_ =	swait.ge [sflag:s11], $0x2800  }
0xea: {  	[sflag:s11] =	ssyncset.done $0x0  }
0xeb: {  	s28 =	rddreg [dreg:$0x18];
	[sflag:s11] =	ssyncadd.s32 $0xFFFFD800  }
0xec: {  	[tilespmem:s18], [sflag:$0x2] =	stream.linear.gather [spmem:s28], $0x2800, $0x38;
	[tilespmem:$0x1B100] =	vst v63  }
0xed: {  	_ =	swait.ge [sflag:s11], $0x2800  }
0xee: {  	[sflag:s11] =	ssyncset.done $0x0  }
0xef: {  	s29 =	rddreg [dreg:$0x11];
	[sflag:s11] =	ssyncadd.s32 $0xFFFFD800  }
0xf0: {  	[hbm4b:s29+s1] =	stream.linear.scatter [tilespmem:s18], [sflag:$0x2], $0x2800, $0x38;
	[tilespmem:$0x1B100] =	vst v63  }
0xf1: {  	_ =	swait.ge [sflag:s11], $0x2800  }
0xf2: {  	[sflag:s11] =	ssyncset.done $0x0  }
0xf3: {  	[sflag:s11] =	ssyncadd.s32 $0xFFFFD800  }
0xf4: {  	[tilespmem:s18], [sflag:$0x2] =	stream.linear.gather [spmem:s31], $0x2800, $0x38;
	[tilespmem:$0x1B100] =	vst v63  }
0xf5: {  	s22 =	sadd.s32 $0x1, s22;
	_ =	swait.ge [sflag:s11], $0x2800  }
0xf6: {  	p0 =	sne.s32 s22, s15;
	[sflag:s11] =	ssyncset.done $0x0  }
.Ltmp1:
0xf7: {  	s30 =	rddreg [dreg:$0x12];
	[sflag:s11] =	ssyncadd.s32 $0xFFFFD800;
	(pc) =	sbr.rel @p0 .LBB2_1-.Ltmp1, $4  }
0xf8: {  	[hbm4b:s30+s1] =	stream.linear.scatter [tilespmem:s18], [sflag:$0x2], $0x2800, $0x38;
	[tilespmem:$0x1B100] =	vst v63  }
0xf9: {  	_ =	swait.ge [sflag:s11], $0x2800  }
0xfa: {  	[sflag:s11] =	ssyncset.done $0x0  }
0xfb: {  	[sflag:s11] =	ssyncadd.s32 $0xFFFFD800  }
0xfc: {  	_ =	sfence.sel $0x180000  }
0xfd: {  	[bflag:$0x0] =	sbarrier.arrive $0xFFFF  }
0xfe: {  	_ =	strace $0x90000047  }
0xff: {  	s0 =	stileid.u32;
	[bflag:$0x2] =	sbarrier.arrive $0xFFFF  }
0x100: {  	p0 =	sne.s32 s0, $0x0;
	s0 =	rddreg [dreg:$0x2]  }
0x101: {  	s0 =	sadd.s32 @!p0 $0x100000, s0  }
0x102: {  	[sflag:s0] =	ssyncadd.tile.s32 @!p0 $0x1;
	_ =	shalt  }
.Lfunc_end2:
_tile_overlayer_lowered:
.L_overlay_start_2:
0x103: {  	(tag) =	ssettag $0x2  }
0x104: {  	s0 =	rddreg [dreg:$0x0];
	s2 =	stileid.u32  }
0x105: {  	s1 =	rddreg [dreg:$0x1];
	p0 =	sne.s32 s2, $0x0  }
0x106: {  	s3 =	rddreg [dreg:$0x2];
	[bflag:$0x3] =	sbarrier.arrive $0xFFFF;
	s2 =	simm.s32 @!p0 $0x1C02  }
0x107: {  	[timem:s3], [sflag:s2] =	dma.local @!p0 [hbm:s0], s1  }
0x108: {  	s0 =	simm.s32 @!p0 $0x2  }
0x109: {  	_ =	swait.ge @!p0 [sflag:s0], s1  }
0x10a: {  	s1 =	ssub.s32 @!p0 $0x0, s1;
	[sflag:s0] =	ssyncset.done @!p0 $0x0  }
0x10b: {  	[sflag:s0] =	ssyncadd.s32 @!p0 s1  }
0x10c: {  	[bflag:$0x3] =	sbarrier.arrive $0xFFFF  }
0x10d: {  	_ =	shalt  }

</sc_bundles>
